<compile_context>
chip_gen: v7x
topology: tpu7x:2x2x1
jax: 0.10.2.dev20260603
libtpu: 0.0.44.dev20260713+nightly
codegen_flags: <defaults>
</compile_context>

<pallas_src>
import jax
import jax.numpy as jnp
from jax import lax
from jax.experimental import pallas as pl
from jax.experimental.pallas import tpu as pltpu
from jax.experimental.pallas import tpu_sc as plsc

N = 10000
NPAD = 10240
E = 320000
D = 128
NW = 32
EPW = E // NW
PPW = NPAD // NW
L = 16


def _tc1_body(x_ref, w_ref, asrc_ref, adst_ref, fcw_ref, edge_ref, perm_ref,
              out_ref, eflat_ref, pp_ref):
    W = w_ref[...]
    asr = asrc_ref[...]
    adr = adst_ref[...]
    fcw = fcw_ref[...]
    w1 = fcw[0:D, :]
    w2 = fcw[D:2 * D, :]
    cdims = (((1,), (1,)), ((), ()))
    ws = lax.dot_general(W, asr, cdims, preferred_element_type=jnp.float32)
    wd = lax.dot_general(W, adr, cdims, preferred_element_type=jnp.float32)
    wh = jnp.dot(W, w1, preferred_element_type=jnp.float32)
    x = x_ref[...]
    cd = (((0,), (1,)), ((), ()))
    r0 = lax.dot_general(ws, x, cd, preferred_element_type=jnp.float32)
    r1 = lax.dot_general(wd, x, cd, preferred_element_type=jnp.float32)
    r2 = lax.dot_general(wh, x, cd, preferred_element_type=jnp.float32)
    r3 = lax.dot_general(w2, x, cd, preferred_element_type=jnp.float32)
    lane_pad = jnp.zeros((1, NPAD - N), jnp.float32)
    for c, r in enumerate((r0, r1, r2, r3)):
        row = jnp.concatenate([r, lane_pad], axis=1).reshape(NPAD)
        out_ref[pl.ds(c * NPAD, NPAD)] = row
    packed = edge_ref[0:1, :] + edge_ref[1:2, :] * 16384
    eflat_ref[...] = packed.reshape(E)
    pp_ref[...] = jnp.concatenate(
        [perm_ref[...].reshape(1, N),
         jnp.zeros((1, NPAD - N), jnp.int32)], axis=1).reshape(NPAD)


def _sc_body(eflat_hbm, a8f_hbm, perm_hbm, den_out, num_out, jxp_out,
             as_v, ad_v, hw_v, jx_v, den_v, num_v, ep_v,
             perm_v, jxp_v, sem, sem2):
    wid = lax.axis_index("c") * 16 + lax.axis_index("s")
    copies = [
        pltpu.async_copy(eflat_hbm.at[pl.ds(wid * EPW, EPW)], ep_v, sem),
        pltpu.async_copy(a8f_hbm.at[pl.ds(0 * NPAD, NPAD)], as_v, sem),
        pltpu.async_copy(a8f_hbm.at[pl.ds(1 * NPAD, NPAD)], ad_v, sem),
        pltpu.async_copy(a8f_hbm.at[pl.ds(2 * NPAD, NPAD)], hw_v, sem),
    ]
    late_copies = [
        pltpu.async_copy(a8f_hbm.at[pl.ds(3 * NPAD, NPAD)], jx_v, sem2),
        pltpu.async_copy(perm_hbm.at[pl.ds(wid * PPW, PPW)], perm_v, sem2),
    ]

    zero = jnp.zeros((L,), jnp.float32)

    @plsc.parallel_loop(0, NPAD // L, unroll=8)
    def _(i):
        den_v[pl.ds(i * L, L)] = zero
        num_v[pl.ds(i * L, L)] = zero

    for c in copies:
        c.wait()

    @plsc.parallel_loop(0, EPW // L, unroll=8)
    def _(i):
        p = ep_v[pl.ds(i * L, L)]
        s = lax.bitwise_and(p, 16383)
        d = lax.shift_right_logical(p, 14)
        asv = plsc.load_gather(as_v, [s])
        adv = plsc.load_gather(ad_v, [d])
        hwv = plsc.load_gather(hw_v, [s])
        e = asv + adv
        e = jnp.where(e > 0, e, 0.2 * e)
        ex = jnp.exp(e - adv)
        plsc.addupdate_scatter(den_v, [d], ex)
        plsc.addupdate_scatter(num_v, [d], ex * hwv)

    for c in late_copies:
        c.wait()

    @plsc.parallel_loop(0, PPW // L, unroll=4)
    def _(i):
        p = perm_v[pl.ds(i * L, L)]
        jxp_v[pl.ds(i * L, L)] = plsc.load_gather(jx_v, [p])

    pltpu.sync_copy(den_v, den_out.at[wid])
    pltpu.sync_copy(num_v, num_out.at[wid])
    pltpu.sync_copy(jxp_v, jxp_out.at[pl.ds(wid * PPW, PPW)])


def _tc2_body(den_ref, num_ref, a5f_ref, jxp_ref, bias_ref, fcw_ref,
              fcb_ref, out_ref):
    as_row = a5f_ref[pl.ds(0 * NPAD, NPAD)].reshape(1, NPAD)
    ad_row = a5f_ref[pl.ds(1 * NPAD, NPAD)].reshape(1, NPAD)
    hw_row = a5f_ref[pl.ds(2 * NPAD, NPAD)].reshape(1, NPAD)
    jx_row = a5f_ref[pl.ds(3 * NPAD, NPAD)].reshape(1, NPAD)
    e_self = as_row + ad_row
    e_self = jnp.where(e_self > 0, e_self, 0.2 * e_self)
    den0 = jnp.exp(e_self - ad_row)
    den = jnp.sum(den_ref[...], axis=0, keepdims=True) + den0
    num = jnp.sum(num_ref[...], axis=0, keepdims=True) + den0 * hw_row
    fcw = fcw_ref[...]
    w1 = fcw[0:D, :]
    bw1 = jnp.dot(bias_ref[...], w1, preferred_element_type=jnp.float32)
    base = num / (den + 1e-16) + (bw1[0, 0] + fcb_ref[0, 0])
    j = base + jx_row
    m = base + jxp_ref[...]
    jn = j / jnp.maximum(jnp.abs(j), 1e-12)
    mn = m / jnp.maximum(jnp.abs(m), 1e-12)
    idx = lax.broadcasted_iota(jnp.int32, jn.shape, 1)
    valid = idx < N
    sj = jnp.sum(jnp.where(valid, jn, 0.0))
    sm = jnp.sum(jnp.where(valid, jnp.exp(mn), 0.0))
    out_ref[...] = (sj / N - jnp.log(sm / N)).reshape(1, 1)


def kernel(x, edge_index, perm, W, att_src, att_dst, bias, fc_W, fc_b):
    A5f, eflat, perm_pad = pl.pallas_call(
        _tc1_body,
        out_shape=[
            jax.ShapeDtypeStruct((4 * NPAD,), jnp.float32),
            jax.ShapeDtypeStruct((E,), jnp.int32),
            jax.ShapeDtypeStruct((NPAD,), jnp.int32),
        ],
    )(x, W, att_src.reshape(1, D), att_dst.reshape(1, D), fc_W,
      edge_index, perm.astype(jnp.int32))

    sc = pl.kernel(
        _sc_body,
        out_type=[
            jax.ShapeDtypeStruct((NW, NPAD), jnp.float32),
            jax.ShapeDtypeStruct((NW, NPAD), jnp.float32),
            jax.ShapeDtypeStruct((NPAD,), jnp.float32),
        ],
        mesh=plsc.VectorSubcoreMesh(core_axis_name="c", subcore_axis_name="s",
                                    num_cores=2, num_subcores=16),
        compiler_params=pltpu.CompilerParams(needs_layout_passes=False),
        scratch_types=[
            pltpu.VMEM((NPAD,), jnp.float32),
            pltpu.VMEM((NPAD,), jnp.float32),
            pltpu.VMEM((NPAD,), jnp.float32),
            pltpu.VMEM((NPAD,), jnp.float32),
            pltpu.VMEM((NPAD,), jnp.float32),
            pltpu.VMEM((NPAD,), jnp.float32),
            pltpu.VMEM((EPW,), jnp.int32),
            pltpu.VMEM((PPW,), jnp.int32),
            pltpu.VMEM((PPW,), jnp.float32),
            pltpu.SemaphoreType.DMA,
            pltpu.SemaphoreType.DMA,
        ],
    )
    den, num, jxp = sc(eflat, A5f, perm_pad)

    out = pl.pallas_call(
        _tc2_body,
        out_shape=jax.ShapeDtypeStruct((1, 1), jnp.float32),
    )(den, num, A5f, jxp.reshape(1, NPAD), bias.reshape(1, D), fc_W,
      fc_b.reshape(1, 1))
    return out[0, 0]

# --- scband reference (transcript-rebuilt; emitter-appended) ---
"""Pipeline reference for scband-mutual-information-estimator-64415919505527 (READ-ONLY COPY).

The authoritative reference and input builder live on the scoring server;
editing this copy changes nothing except your own understanding.
"""

import jax, jax.numpy as jnp
import numpy as np

N = 10000
E = 320000
D = 128

def setup_inputs(seed: int = 0) -> dict:
    key = jax.random.key(seed)
    ks = jax.random.split(key, 10)
    x = jax.random.normal(ks[0], (N, D), dtype=jnp.float32)
    edge_index = jax.random.randint(ks[1], (2, E), 0, N, dtype=jnp.int32)
    perm = jax.random.permutation(ks[2], N)
    W = jax.random.normal(ks[3], (D, D), dtype=jnp.float32) * (1.0 / np.sqrt(D))
    att_src = jax.random.normal(ks[4], (D,), dtype=jnp.float32) * 0.1
    att_dst = jax.random.normal(ks[5], (D,), dtype=jnp.float32) * 0.1
    bias = jnp.zeros((D,), dtype=jnp.float32)
    fc_W = jax.random.normal(ks[6], (2 * D, 1), dtype=jnp.float32) * (1.0 / np.sqrt(2 * D))
    fc_b = jnp.zeros((1,), dtype=jnp.float32)
    return {"x": x, "edge_index": edge_index, "perm": perm, "W": W,
            "att_src": att_src, "att_dst": att_dst, "bias": bias,
            "fc_W": fc_W, "fc_b": fc_b}


def gat_forward(x, edge_index, W, att_src, att_dst, bias):
    # GATConv with heads=1, concat=False, add_self_loops=True, negative_slope=0.2
    n = x.shape[0]
    loops = jnp.arange(n, dtype=edge_index.dtype)
    src = jnp.concatenate([edge_index[0], loops])
    dst = jnp.concatenate([edge_index[1], loops])
    h = x @ W
    a_s = h @ att_src  # [n]
    a_d = h @ att_dst  # [n]
    e = a_s[src] + a_d[dst]
    e = jnp.where(e > 0, e, 0.2 * e)  # leaky_relu
    emax = jax.ops.segment_max(e, dst, num_segments=n)
    emax = jnp.where(jnp.isfinite(emax), emax, 0.0)
    ex = jnp.exp(e - emax[dst])
    denom = jax.ops.segment_sum(ex, dst, num_segments=n)
    alpha = ex / (denom[dst] + 1e-16)
    out = jax.ops.segment_sum(alpha[:, None] * h[src], dst, num_segments=n)
    return out + bias


def reference(x, edge_index, perm, W, att_src, att_dst, bias, fc_W, fc_b):
    emb = gat_forward(x, edge_index, W, att_src, att_dst, bias)
    neg_samples = x[perm]
    joint = jnp.concatenate([emb, x], axis=-1)
    margin = jnp.concatenate([emb, neg_samples], axis=-1)
    joint_score = joint @ fc_W + fc_b
    margin_score = margin @ fc_W + fc_b

    def norm_rows(v):
        nrm = jnp.linalg.norm(v, axis=1, keepdims=True)
        return v / jnp.maximum(nrm, 1e-12)

    joint_score = norm_rows(joint_score)
    margin_score = norm_rows(margin_score)
    mi_estimate = jnp.mean(joint_score) - jnp.log(jnp.mean(jnp.exp(margin_score)))
    return mi_estimate

if __name__ == "__main__":
    import jax
    _d = setup_inputs()
    print(jax.jit(kernel)(*tuple(_d.values())))

</pallas_src>

<mosaic_0001>
#map = affine_map<(d0, d1) -> (0)>
#map1 = affine_map<(d0, d1) -> (0, 0)>
module attributes {stable_mosaic.version = 14 : i64} {
  func.func @_sc_body(%arg0: i32, %arg1: i32, %arg2: memref<320000xi32, #tpu.memory_space<hbm>>, %arg3: memref<40960xf32, #tpu.memory_space<hbm>>, %arg4: memref<10240xi32, #tpu.memory_space<hbm>>, %arg5: memref<32x10240xf32, #tpu.memory_space<hbm>>, %arg6: memref<32x10240xf32, #tpu.memory_space<hbm>>, %arg7: memref<10240xf32, #tpu.memory_space<hbm>>, %arg8: memref<10240xf32, #tpu.memory_space<vmem>>, %arg9: memref<10240xf32, #tpu.memory_space<vmem>>, %arg10: memref<10240xf32, #tpu.memory_space<vmem>>, %arg11: memref<10240xf32, #tpu.memory_space<vmem>>, %arg12: memref<10240xf32, #tpu.memory_space<vmem>>, %arg13: memref<10240xf32, #tpu.memory_space<vmem>>, %arg14: memref<10000xi32, #tpu.memory_space<vmem>>, %arg15: memref<320xi32, #tpu.memory_space<vmem>>, %arg16: memref<320xf32, #tpu.memory_space<vmem>>, %arg17: memref<!tpu.dma_semaphore, #tpu.memory_space<semaphore_mem>>, %arg18: memref<!tpu.dma_semaphore, #tpu.memory_space<semaphore_mem>>) attributes {dimension_semantics = [#tpu.dimension_semantics<core_parallel>, #tpu.dimension_semantics<subcore_parallel>], iteration_bounds = array<i64: 2, 16>, scalar_prefetch = 0 : i64, scratch_operands = 11 : i64, tpu.core_type = #tpu.core_type<sc_vector_subcore>, window_params = [{transform_indices = #map}, {transform_indices = #map}, {transform_indices = #map}, {transform_indices = #map1}, {transform_indices = #map1}, {transform_indices = #map}]} {
    %mul3A = arith.constant 16 : i32
    %mul3A_0 = arith.muli %arg0, %mul3A : i32
    %add3A = arith.addi %mul3A_0, %arg1 : i32
    %mul3A_1 = arith.constant 10000 : i32
    %mul3A_2 = arith.muli %add3A, %mul3A_1 : i32
    %dma_start3A = tpu.memref_slice %arg2[%mul3A_2] : memref<320000xi32, #tpu.memory_space<hbm>> -> memref<10000xi32, #tpu.memory_space<hbm>>
    %dma_start3A_3 = tpu.memref_slice %arg2[%mul3A_2] : memref<320000xi32, #tpu.memory_space<hbm>> -> memref<10000xi32, #tpu.memory_space<hbm>>
    tpu.enqueue_dma source(%dma_start3A_3 : memref<10000xi32, #tpu.memory_space<hbm>>) target(%arg14 : memref<10000xi32, #tpu.memory_space<vmem>>) target_semaphore(%arg17 : memref<!tpu.dma_semaphore, #tpu.memory_space<semaphore_mem>>)
    %dma_start3A_4 = arith.constant 0 : i32
    %dma_start3A_5 = tpu.memref_slice %arg3[%dma_start3A_4] : memref<40960xf32, #tpu.memory_space<hbm>> -> memref<10240xf32, #tpu.memory_space<hbm>>
    %dma_start3A_6 = arith.constant 0 : i32
    %dma_start3A_7 = tpu.memref_slice %arg3[%dma_start3A_6] : memref<40960xf32, #tpu.memory_space<hbm>> -> memref<10240xf32, #tpu.memory_space<hbm>>
    tpu.enqueue_dma source(%dma_start3A_7 : memref<10240xf32, #tpu.memory_space<hbm>>) target(%arg8 : memref<10240xf32, #tpu.memory_space<vmem>>) target_semaphore(%arg17 : memref<!tpu.dma_semaphore, #tpu.memory_space<semaphore_mem>>)
    %dma_start3A_8 = arith.constant 10240 : i32
    %dma_start3A_9 = tpu.memref_slice %arg3[%dma_start3A_8] : memref<40960xf32, #tpu.memory_space<hbm>> -> memref<10240xf32, #tpu.memory_space<hbm>>
    %dma_start3A_10 = arith.constant 10240 : i32
    %dma_start3A_11 = tpu.memref_slice %arg3[%dma_start3A_10] : memref<40960xf32, #tpu.memory_space<hbm>> -> memref<10240xf32, #tpu.memory_space<hbm>>
    tpu.enqueue_dma source(%dma_start3A_11 : memref<10240xf32, #tpu.memory_space<hbm>>) target(%arg9 : memref<10240xf32, #tpu.memory_space<vmem>>) target_semaphore(%arg17 : memref<!tpu.dma_semaphore, #tpu.memory_space<semaphore_mem>>)
    %dma_start3A_12 = arith.constant 20480 : i32
    %dma_start3A_13 = tpu.memref_slice %arg3[%dma_start3A_12] : memref<40960xf32, #tpu.memory_space<hbm>> -> memref<10240xf32, #tpu.memory_space<hbm>>
    %dma_start3A_14 = arith.constant 20480 : i32
    %dma_start3A_15 = tpu.memref_slice %arg3[%dma_start3A_14] : memref<40960xf32, #tpu.memory_space<hbm>> -> memref<10240xf32, #tpu.memory_space<hbm>>
    tpu.enqueue_dma source(%dma_start3A_15 : memref<10240xf32, #tpu.memory_space<hbm>>) target(%arg10 : memref<10240xf32, #tpu.memory_space<vmem>>) target_semaphore(%arg17 : memref<!tpu.dma_semaphore, #tpu.memory_space<semaphore_mem>>)
    %dma_start3A_16 = arith.constant 30720 : i32
    %dma_start3A_17 = tpu.memref_slice %arg3[%dma_start3A_16] : memref<40960xf32, #tpu.memory_space<hbm>> -> memref<10240xf32, #tpu.memory_space<hbm>>
    %dma_start3A_18 = arith.constant 30720 : i32
    %dma_start3A_19 = tpu.memref_slice %arg3[%dma_start3A_18] : memref<40960xf32, #tpu.memory_space<hbm>> -> memref<10240xf32, #tpu.memory_space<hbm>>
    tpu.enqueue_dma source(%dma_start3A_19 : memref<10240xf32, #tpu.memory_space<hbm>>) target(%arg11 : memref<10240xf32, #tpu.memory_space<vmem>>) target_semaphore(%arg18 : memref<!tpu.dma_semaphore, #tpu.memory_space<semaphore_mem>>)
    %mul3A_20 = arith.constant 320 : i32
    %mul3A_21 = arith.muli %add3A, %mul3A_20 : i32
    %dma_start3A_22 = tpu.memref_slice %arg4[%mul3A_21] : memref<10240xi32, #tpu.memory_space<hbm>> -> memref<320xi32, #tpu.memory_space<hbm>>
    %dma_start3A_23 = tpu.memref_slice %arg4[%mul3A_21] : memref<10240xi32, #tpu.memory_space<hbm>> -> memref<320xi32, #tpu.memory_space<hbm>>
    tpu.enqueue_dma source(%dma_start3A_23 : memref<320xi32, #tpu.memory_space<hbm>>) target(%arg15 : memref<320xi32, #tpu.memory_space<vmem>>) target_semaphore(%arg18 : memref<!tpu.dma_semaphore, #tpu.memory_space<semaphore_mem>>)
    %broadcast_in_dim3A = arith.constant 0.000000e+00 : f32
    %broadcast_in_dim3A_24 = vector.broadcast %broadcast_in_dim3A : f32 to vector<16xf32>
    %parallel_loop3A = arith.constant 0 : i32
    %parallel_loop3A_25 = arith.constant 640 : i32
    %parallel_loop3A_26 = arith.constant 1 : i32
    scf.for %parallel_loop3A_54 = %parallel_loop3A to %parallel_loop3A_25 step %parallel_loop3A_26  : i32 {
      %parallel_loop3A_55 = arith.constant 16 : i32
      %parallel_loop3A_56 = arith.muli %parallel_loop3A_54, %parallel_loop3A_55 : i32
      %parallel_loop3A_57 = arith.index_cast %parallel_loop3A_56 : i32 to index
      %parallel_loop3A_58 = tpu.vector_load %arg12[%parallel_loop3A_57] {strides = array<i32>} : memref<10240xf32, #tpu.memory_space<vmem>>, vector<16xf32>,
      tpu.vector_store %arg12[%parallel_loop3A_57], %broadcast_in_dim3A_24 {strides = array<i32>} : memref<10240xf32, #tpu.memory_space<vmem>>, vector<16xf32>,
      %parallel_loop3A_59 = arith.constant 16 : i32
      %parallel_loop3A_60 = arith.muli %parallel_loop3A_54, %parallel_loop3A_59 : i32
      %parallel_loop3A_61 = arith.index_cast %parallel_loop3A_60 : i32 to index
      %parallel_loop3A_62 = tpu.vector_load %arg13[%parallel_loop3A_61] {strides = array<i32>} : memref<10240xf32, #tpu.memory_space<vmem>>, vector<16xf32>,
      tpu.vector_store %arg13[%parallel_loop3A_61], %broadcast_in_dim3A_24 {strides = array<i32>} : memref<10240xf32, #tpu.memory_space<vmem>>, vector<16xf32>,
    } {sc.loop_unroll_factor = 8 : i64, sc.parallel_access}
    %dma_wait3A = tpu.memref_slice %arg2[%mul3A_2] : memref<320000xi32, #tpu.memory_space<hbm>> -> memref<10000xi32, #tpu.memory_space<hbm>>
    %dma_wait3A_27 = tpu.memref_slice %arg2[%mul3A_2] : memref<320000xi32, #tpu.memory_space<hbm>> -> memref<10000xi32, #tpu.memory_space<hbm>>
    tpu.wait_dma2 semaphore(%arg17 : memref<!tpu.dma_semaphore, #tpu.memory_space<semaphore_mem>>) src(%dma_wait3A_27 : memref<10000xi32, #tpu.memory_space<hbm>>) dst(%arg14 : memref<10000xi32, #tpu.memory_space<vmem>>)
    %dma_wait3A_28 = arith.constant 0 : i32
    %dma_wait3A_29 = tpu.memref_slice %arg3[%dma_wait3A_28] : memref<40960xf32, #tpu.memory_space<hbm>> -> memref<10240xf32, #tpu.memory_space<hbm>>
    %dma_wait3A_30 = arith.constant 0 : i32
    %dma_wait3A_31 = tpu.memref_slice %arg3[%dma_wait3A_30] : memref<40960xf32, #tpu.memory_space<hbm>> -> memref<10240xf32, #tpu.memory_space<hbm>>
    tpu.wait_dma2 semaphore(%arg17 : memref<!tpu.dma_semaphore, #tpu.memory_space<semaphore_mem>>) src(%dma_wait3A_31 : memref<10240xf32, #tpu.memory_space<hbm>>) dst(%arg8 : memref<10240xf32, #tpu.memory_space<vmem>>)
    %dma_wait3A_32 = arith.constant 10240 : i32
    %dma_wait3A_33 = tpu.memref_slice %arg3[%dma_wait3A_32] : memref<40960xf32, #tpu.memory_space<hbm>> -> memref<10240xf32, #tpu.memory_space<hbm>>
    %dma_wait3A_34 = arith.constant 10240 : i32
    %dma_wait3A_35 = tpu.memref_slice %arg3[%dma_wait3A_34] : memref<40960xf32, #tpu.memory_space<hbm>> -> memref<10240xf32, #tpu.memory_space<hbm>>
    tpu.wait_dma2 semaphore(%arg17 : memref<!tpu.dma_semaphore, #tpu.memory_space<semaphore_mem>>) src(%dma_wait3A_35 : memref<10240xf32, #tpu.memory_space<hbm>>) dst(%arg9 : memref<10240xf32, #tpu.memory_space<vmem>>)
    %dma_wait3A_36 = arith.constant 20480 : i32
    %dma_wait3A_37 = tpu.memref_slice %arg3[%dma_wait3A_36] : memref<40960xf32, #tpu.memory_space<hbm>> -> memref<10240xf32, #tpu.memory_space<hbm>>
    %dma_wait3A_38 = arith.constant 20480 : i32
    %dma_wait3A_39 = tpu.memref_slice %arg3[%dma_wait3A_38] : memref<40960xf32, #tpu.memory_space<hbm>> -> memref<10240xf32, #tpu.memory_space<hbm>>
    tpu.wait_dma2 semaphore(%arg17 : memref<!tpu.dma_semaphore, #tpu.memory_space<semaphore_mem>>) src(%dma_wait3A_39 : memref<10240xf32, #tpu.memory_space<hbm>>) dst(%arg10 : memref<10240xf32, #tpu.memory_space<vmem>>)
    %parallel_loop3A_40 = arith.constant 0 : i32
    %parallel_loop3A_41 = arith.constant 625 : i32
    %parallel_loop3A_42 = arith.constant 1 : i32
    scf.for %parallel_loop3A_54 = %parallel_loop3A_40 to %parallel_loop3A_41 step %parallel_loop3A_42  : i32 {
      %parallel_loop3A_55 = arith.constant 16 : i32
      %parallel_loop3A_56 = arith.muli %parallel_loop3A_54, %parallel_loop3A_55 : i32
      %parallel_loop3A_57 = arith.index_cast %parallel_loop3A_56 : i32 to index
      %parallel_loop3A_58 = tpu.vector_load %arg14[%parallel_loop3A_57] {strides = array<i32>} : memref<10000xi32, #tpu.memory_space<vmem>>, vector<16xi32>,
      %parallel_loop3A_59 = arith.constant 16383 : i32
      %parallel_loop3A_60 = vector.broadcast %parallel_loop3A_59 : i32 to vector<16xi32>
      %parallel_loop3A_61 = arith.andi %parallel_loop3A_58, %parallel_loop3A_60 : vector<16xi32>
      %parallel_loop3A_62 = arith.constant 14 : i32
      %parallel_loop3A_63 = vector.broadcast %parallel_loop3A_62 : i32 to vector<16xi32>
      %parallel_loop3A_64 = arith.shrui %parallel_loop3A_58, %parallel_loop3A_63 : vector<16xi32>
      %parallel_loop3A_65 = tpu.vector_load_idx %arg8[%parallel_loop3A_61] : memref<10240xf32, #tpu.memory_space<vmem>>[vector<16xi32>], vector<16xf32>,
      %parallel_loop3A_66 = tpu.vector_load_idx %arg9[%parallel_loop3A_64] : memref<10240xf32, #tpu.memory_space<vmem>>[vector<16xi32>], vector<16xf32>,
      %parallel_loop3A_67 = tpu.vector_load_idx %arg10[%parallel_loop3A_61] : memref<10240xf32, #tpu.memory_space<vmem>>[vector<16xi32>], vector<16xf32>,
      %parallel_loop3A_68 = arith.addf %parallel_loop3A_65, %parallel_loop3A_66 : vector<16xf32>
      %parallel_loop3A_69 = arith.constant 0.000000e+00 : f32
      %parallel_loop3A_70 = vector.broadcast %parallel_loop3A_69 : f32 to vector<16xf32>
      %parallel_loop3A_71 = arith.cmpf ogt, %parallel_loop3A_68, %parallel_loop3A_70 : vector<16xf32>
      %parallel_loop3A_72 = arith.constant 2.000000e-01 : f32
      %parallel_loop3A_73 = vector.broadcast %parallel_loop3A_72 : f32 to vector<16xf32>
      %parallel_loop3A_74 = arith.mulf %parallel_loop3A_73, %parallel_loop3A_68 : vector<16xf32>
      %parallel_loop3A_75 = arith.select %parallel_loop3A_71, %parallel_loop3A_68, %parallel_loop3A_74 : vector<16xi1>, vector<16xf32>
      %parallel_loop3A_76 = arith.subf %parallel_loop3A_75, %parallel_loop3A_66 : vector<16xf32>
      %parallel_loop3A_77 = math.exp %parallel_loop3A_76 : vector<16xf32>
      tpu.vector_store_idx %arg12[%parallel_loop3A_64], %parallel_loop3A_77 {add = true} : memref<10240xf32, #tpu.memory_space<vmem>>[vector<16xi32>], vector<16xf32>,
      %parallel_loop3A_78 = arith.mulf %parallel_loop3A_77, %parallel_loop3A_67 : vector<16xf32>
      tpu.vector_store_idx %arg13[%parallel_loop3A_64], %parallel_loop3A_78 {add = true} : memref<10240xf32, #tpu.memory_space<vmem>>[vector<16xi32>], vector<16xf32>,
    } {sc.loop_unroll_factor = 8 : i64, sc.parallel_access}
    %dma_wait3A_43 = arith.constant 30720 : i32
    %dma_wait3A_44 = tpu.memref_slice %arg3[%dma_wait3A_43] : memref<40960xf32, #tpu.memory_space<hbm>> -> memref<10240xf32, #tpu.memory_space<hbm>>
    %dma_wait3A_45 = arith.constant 30720 : i32
    %dma_wait3A_46 = tpu.memref_slice %arg3[%dma_wait3A_45] : memref<40960xf32, #tpu.memory_space<hbm>> -> memref<10240xf32, #tpu.memory_space<hbm>>
    tpu.wait_dma2 semaphore(%arg18 : memref<!tpu.dma_semaphore, #tpu.memory_space<semaphore_mem>>) src(%dma_wait3A_46 : memref<10240xf32, #tpu.memory_space<hbm>>) dst(%arg11 : memref<10240xf32, #tpu.memory_space<vmem>>)
    %dma_wait3A_47 = tpu.memref_slice %arg4[%mul3A_21] : memref<10240xi32, #tpu.memory_space<hbm>> -> memref<320xi32, #tpu.memory_space<hbm>>
    %dma_wait3A_48 = tpu.memref_slice %arg4[%mul3A_21] : memref<10240xi32, #tpu.memory_space<hbm>> -> memref<320xi32, #tpu.memory_space<hbm>>
    tpu.wait_dma2 semaphore(%arg18 : memref<!tpu.dma_semaphore, #tpu.memory_space<semaphore_mem>>) src(%dma_wait3A_48 : memref<320xi32, #tpu.memory_space<hbm>>) dst(%arg15 : memref<320xi32, #tpu.memory_space<vmem>>)
    %parallel_loop3A_49 = arith.constant 0 : i32
    %parallel_loop3A_50 = arith.constant 20 : i32
    %parallel_loop3A_51 = arith.constant 1 : i32
    scf.for %parallel_loop3A_54 = %parallel_loop3A_49 to %parallel_loop3A_50 step %parallel_loop3A_51  : i32 {
      %parallel_loop3A_55 = arith.constant 16 : i32
      %parallel_loop3A_56 = arith.muli %parallel_loop3A_54, %parallel_loop3A_55 : i32
      %parallel_loop3A_57 = arith.index_cast %parallel_loop3A_56 : i32 to index
      %parallel_loop3A_58 = tpu.vector_load %arg15[%parallel_loop3A_57] {strides = array<i32>} : memref<320xi32, #tpu.memory_space<vmem>>, vector<16xi32>,
      %parallel_loop3A_59 = tpu.vector_load_idx %arg11[%parallel_loop3A_58] : memref<10240xf32, #tpu.memory_space<vmem>>[vector<16xi32>], vector<16xf32>,
      %parallel_loop3A_60 = arith.constant 16 : i32
      %parallel_loop3A_61 = arith.muli %parallel_loop3A_54, %parallel_loop3A_60 : i32
      %parallel_loop3A_62 = arith.index_cast %parallel_loop3A_61 : i32 to index
      %parallel_loop3A_63 = tpu.vector_load %arg16[%parallel_loop3A_62] {strides = array<i32>} : memref<320xf32, #tpu.memory_space<vmem>>, vector<16xf32>,
      tpu.vector_store %arg16[%parallel_loop3A_62], %parallel_loop3A_59 {strides = array<i32>} : memref<320xf32, #tpu.memory_space<vmem>>, vector<16xf32>,
    } {sc.loop_unroll_factor = 4 : i64, sc.parallel_access}
    "tpu.region"() ({
      %run_scoped3A = tpu.sem_alloc : memref<!tpu.dma_semaphore, #tpu.memory_space<semaphore_mem>>
      %dma_start3A_54 = arith.constant 0 : i32
      %dma_start3A_55 = tpu.memref_slice %arg5[%add3A, %dma_start3A_54] : memref<32x10240xf32, #tpu.memory_space<hbm>> -> memref<1x10240xf32, #tpu.memory_space<hbm>>
      %dma_start3A_56 = tpu.memref_squeeze %dma_start3A_55 : memref<1x10240xf32, #tpu.memory_space<hbm>> -> memref<10240xf32, #tpu.memory_space<hbm>>
      %dma_start3A_57 = arith.constant 0 : i32
      %dma_start3A_58 = tpu.memref_slice %arg5[%add3A, %dma_start3A_57] : memref<32x10240xf32, #tpu.memory_space<hbm>> -> memref<1x10240xf32, #tpu.memory_space<hbm>>
      %dma_start3A_59 = tpu.memref_squeeze %dma_start3A_58 : memref<1x10240xf32, #tpu.memory_space<hbm>> -> memref<10240xf32, #tpu.memory_space<hbm>>
      tpu.enqueue_dma source(%arg12 : memref<10240xf32, #tpu.memory_space<vmem>>) target(%dma_start3A_59 : memref<10240xf32, #tpu.memory_space<hbm>>) target_semaphore(%run_scoped3A : memref<!tpu.dma_semaphore, #tpu.memory_space<semaphore_mem>>)
      %dma_wait3A_60 = arith.constant 0 : i32
      %dma_wait3A_61 = tpu.memref_slice %arg5[%add3A, %dma_wait3A_60] : memref<32x10240xf32, #tpu.memory_space<hbm>> -> memref<1x10240xf32, #tpu.memory_space<hbm>>
      %dma_wait3A_62 = tpu.memref_squeeze %dma_wait3A_61 : memref<1x10240xf32, #tpu.memory_space<hbm>> -> memref<10240xf32, #tpu.memory_space<hbm>>
      %dma_wait3A_63 = arith.constant 0 : i32
      %dma_wait3A_64 = tpu.memref_slice %arg5[%add3A, %dma_wait3A_63] : memref<32x10240xf32, #tpu.memory_space<hbm>> -> memref<1x10240xf32, #tpu.memory_space<hbm>>
      %dma_wait3A_65 = tpu.memref_squeeze %dma_wait3A_64 : memref<1x10240xf32, #tpu.memory_space<hbm>> -> memref<10240xf32, #tpu.memory_space<hbm>>
      tpu.wait_dma2 semaphore(%run_scoped3A : memref<!tpu.dma_semaphore, #tpu.memory_space<semaphore_mem>>) src(%arg12 : memref<10240xf32, #tpu.memory_space<vmem>>) dst(%dma_wait3A_65 : memref<10240xf32, #tpu.memory_space<hbm>>)
      tpu.yield
    }) : () -> ()
    "tpu.region"() ({
      %run_scoped3A = tpu.sem_alloc : memref<!tpu.dma_semaphore, #tpu.memory_space<semaphore_mem>>
      %dma_start3A_54 = arith.constant 0 : i32
      %dma_start3A_55 = tpu.memref_slice %arg6[%add3A, %dma_start3A_54] : memref<32x10240xf32, #tpu.memory_space<hbm>> -> memref<1x10240xf32, #tpu.memory_space<hbm>>
      %dma_start3A_56 = tpu.memref_squeeze %dma_start3A_55 : memref<1x10240xf32, #tpu.memory_space<hbm>> -> memref<10240xf32, #tpu.memory_space<hbm>>
      %dma_start3A_57 = arith.constant 0 : i32
      %dma_start3A_58 = tpu.memref_slice %arg6[%add3A, %dma_start3A_57] : memref<32x10240xf32, #tpu.memory_space<hbm>> -> memref<1x10240xf32, #tpu.memory_space<hbm>>
      %dma_start3A_59 = tpu.memref_squeeze %dma_start3A_58 : memref<1x10240xf32, #tpu.memory_space<hbm>> -> memref<10240xf32, #tpu.memory_space<hbm>>
      tpu.enqueue_dma source(%arg13 : memref<10240xf32, #tpu.memory_space<vmem>>) target(%dma_start3A_59 : memref<10240xf32, #tpu.memory_space<hbm>>) target_semaphore(%run_scoped3A : memref<!tpu.dma_semaphore, #tpu.memory_space<semaphore_mem>>)
      %dma_wait3A_60 = arith.constant 0 : i32
      %dma_wait3A_61 = tpu.memref_slice %arg6[%add3A, %dma_wait3A_60] : memref<32x10240xf32, #tpu.memory_space<hbm>> -> memref<1x10240xf32, #tpu.memory_space<hbm>>
      %dma_wait3A_62 = tpu.memref_squeeze %dma_wait3A_61 : memref<1x10240xf32, #tpu.memory_space<hbm>> -> memref<10240xf32, #tpu.memory_space<hbm>>
      %dma_wait3A_63 = arith.constant 0 : i32
      %dma_wait3A_64 = tpu.memref_slice %arg6[%add3A, %dma_wait3A_63] : memref<32x10240xf32, #tpu.memory_space<hbm>> -> memref<1x10240xf32, #tpu.memory_space<hbm>>
      %dma_wait3A_65 = tpu.memref_squeeze %dma_wait3A_64 : memref<1x10240xf32, #tpu.memory_space<hbm>> -> memref<10240xf32, #tpu.memory_space<hbm>>
      tpu.wait_dma2 semaphore(%run_scoped3A : memref<!tpu.dma_semaphore, #tpu.memory_space<semaphore_mem>>) src(%arg13 : memref<10240xf32, #tpu.memory_space<vmem>>) dst(%dma_wait3A_65 : memref<10240xf32, #tpu.memory_space<hbm>>)
      tpu.yield
    }) : () -> ()
    %mul3A_52 = arith.constant 320 : i32
    %mul3A_53 = arith.muli %add3A, %mul3A_52 : i32
    "tpu.region"() ({
      %run_scoped3A = tpu.sem_alloc : memref<!tpu.dma_semaphore, #tpu.memory_space<semaphore_mem>>
      %dma_start3A_54 = tpu.memref_slice %arg7[%mul3A_53] : memref<10240xf32, #tpu.memory_space<hbm>> -> memref<320xf32, #tpu.memory_space<hbm>>
      %dma_start3A_55 = tpu.memref_slice %arg7[%mul3A_53] : memref<10240xf32, #tpu.memory_space<hbm>> -> memref<320xf32, #tpu.memory_space<hbm>>
      tpu.enqueue_dma source(%arg16 : memref<320xf32, #tpu.memory_space<vmem>>) target(%dma_start3A_55 : memref<320xf32, #tpu.memory_space<hbm>>) target_semaphore(%run_scoped3A : memref<!tpu.dma_semaphore, #tpu.memory_space<semaphore_mem>>)
      %dma_wait3A_56 = tpu.memref_slice %arg7[%mul3A_53] : memref<10240xf32, #tpu.memory_space<hbm>> -> memref<320xf32, #tpu.memory_space<hbm>>
      %dma_wait3A_57 = tpu.memref_slice %arg7[%mul3A_53] : memref<10240xf32, #tpu.memory_space<hbm>> -> memref<320xf32, #tpu.memory_space<hbm>>
      tpu.wait_dma2 semaphore(%run_scoped3A : memref<!tpu.dma_semaphore, #tpu.memory_space<semaphore_mem>>) src(%arg16 : memref<320xf32, #tpu.memory_space<vmem>>) dst(%dma_wait3A_57 : memref<320xf32, #tpu.memory_space<hbm>>)
      tpu.yield
    }) : () -> ()
    return
  }
}

module attributes {stable_mosaic.version = 14 : i64} {
  func.func @_tc1_body(%arg0: memref<10000x128xf32, #tpu.memory_space<vmem>>, %arg1: memref<128x128xf32, #tpu.memory_space<vmem>>, %arg2: memref<1x128xf32, #tpu.memory_space<vmem>>, %arg3: memref<1x128xf32, #tpu.memory_space<vmem>>, %arg4: memref<256x1xf32, #tpu.memory_space<vmem>>, %arg5: memref<2x320000xi32, #tpu.memory_space<vmem>>, %arg6: memref<10000xi32, #tpu.memory_space<vmem>>, %arg7: memref<40960xf32, #tpu.memory_space<vmem>>, %arg8: memref<320000xi32, #tpu.memory_space<vmem>>, %arg9: memref<10240xi32, #tpu.memory_space<vmem>>) attributes {dimension_semantics = [], scalar_prefetch = 0 : i64, scratch_operands = 0 : i64, tpu.core_type = #tpu.core_type<tc>} {
    %get3A = arith.constant 0 : index
    %get3A_0 = arith.constant 0 : index
    %get3A_1 = vector.load %arg1[%get3A, %get3A_0] : memref<128x128xf32, #tpu.memory_space<vmem>>, vector<128x128xf32>
    %get3A_2 = arith.constant 0 : index
    %get3A_3 = arith.constant 0 : index
    %get3A_4 = vector.load %arg2[%get3A_2, %get3A_3] : memref<1x128xf32, #tpu.memory_space<vmem>>, vector<1x128xf32>
    %get3A_5 = arith.constant 0 : index
    %get3A_6 = arith.constant 0 : index
    %get3A_7 = vector.load %arg3[%get3A_5, %get3A_6] : memref<1x128xf32, #tpu.memory_space<vmem>>, vector<1x128xf32>
    %get3A_8 = arith.constant 0 : index
    %get3A_9 = arith.constant 0 : index
    %get3A_10 = vector.load %arg4[%get3A_8, %get3A_9] : memref<256x1xf32, #tpu.memory_space<vmem>>, vector<256x1xf32>
    %slice3A = vector.extract_strided_slice %get3A_10 {offsets = [0, 0], sizes = [128, 1], strides = [1, 1]} : vector<256x1xf32> to vector<128x1xf32>
    %slice3A_11 = vector.extract_strided_slice %get3A_10 {offsets = [128, 0], sizes = [128, 1], strides = [1, 1]} : vector<256x1xf32> to vector<128x1xf32>
    %dot_general3A = arith.constant dense<0.000000e+00> : vector<128x1xf32>
    %dot_general3A_12 = tpu.matmul %get3A_1, %get3A_4, %dot_general3A {dimension_numbers = #tpu.dot_dimension_numbers<[1], [1], [0], [0], [0, 0, 1, 0], [], []>, transpose_lhs_hint = false} : vector<128x128xf32>, vector<1x128xf32>, vector<128x1xf32> -> vector<128x1xf32>
    %dot_general3A_13 = arith.constant dense<0.000000e+00> : vector<128x1xf32>
    %dot_general3A_14 = tpu.matmul %get3A_1, %get3A_7, %dot_general3A_13 {dimension_numbers = #tpu.dot_dimension_numbers<[1], [1], [0], [0], [0, 0, 1, 0], [], []>, transpose_lhs_hint = false} : vector<128x128xf32>, vector<1x128xf32>, vector<128x1xf32> -> vector<128x1xf32>
    %dot_general3A_15 = arith.constant dense<0.000000e+00> : vector<128x1xf32>
    %dot_general3A_16 = tpu.matmul %get3A_1, %slice3A, %dot_general3A_15 {dimension_numbers = #tpu.dot_dimension_numbers<[1], [0], [0], [1], [0, 0, 1, 1], [], []>, transpose_lhs_hint = false} : vector<128x128xf32>, vector<128x1xf32>, vector<128x1xf32> -> vector<128x1xf32>
    %get3A_17 = arith.constant 0 : index
    %get3A_18 = arith.constant 0 : index
    %get3A_19 = vector.load %arg0[%get3A_17, %get3A_18] : memref<10000x128xf32, #tpu.memory_space<vmem>>, vector<10000x128xf32>
    %dot_general3A_20 = arith.constant dense<0.000000e+00> : vector<1x10000xf32>
    %dot_general3A_21 = tpu.matmul %dot_general3A_12, %get3A_19, %dot_general3A_20 {dimension_numbers = #tpu.dot_dimension_numbers<[0], [1], [1], [0], [0, 1, 1, 0], [], []>, transpose_lhs_hint = false} : vector<128x1xf32>, vector<10000x128xf32>, vector<1x10000xf32> -> vector<1x10000xf32>
    %dot_general3A_22 = arith.constant dense<0.000000e+00> : vector<1x10000xf32>
    %dot_general3A_23 = tpu.matmul %dot_general3A_14, %get3A_19, %dot_general3A_22 {dimension_numbers = #tpu.dot_dimension_numbers<[0], [1], [1], [0], [0, 1, 1, 0], [], []>, transpose_lhs_hint = false} : vector<128x1xf32>, vector<10000x128xf32>, vector<1x10000xf32> -> vector<1x10000xf32>
    %dot_general3A_24 = arith.constant dense<0.000000e+00> : vector<1x10000xf32>
    %dot_general3A_25 = tpu.matmul %dot_general3A_16, %get3A_19, %dot_general3A_24 {dimension_numbers = #tpu.dot_dimension_numbers<[0], [1], [1], [0], [0, 1, 1, 0], [], []>, transpose_lhs_hint = false} : vector<128x1xf32>, vector<10000x128xf32>, vector<1x10000xf32> -> vector<1x10000xf32>
    %dot_general3A_26 = arith.constant dense<0.000000e+00> : vector<1x10000xf32>
    %dot_general3A_27 = tpu.matmul %slice3A_11, %get3A_19, %dot_general3A_26 {dimension_numbers = #tpu.dot_dimension_numbers<[0], [1], [1], [0], [0, 1, 1, 0], [], []>, transpose_lhs_hint = false} : vector<128x1xf32>, vector<10000x128xf32>, vector<1x10000xf32> -> vector<1x10000xf32>
    %broadcast_in_dim3A = arith.constant 0.000000e+00 : f32
    %broadcast_in_dim3A_28 = vector.broadcast %broadcast_in_dim3A : f32 to vector<1x240xf32>
    %concatenate3A = tpu.concatenate %dot_general3A_21, %broadcast_in_dim3A_28 in 1 : vector<1x10000xf32>, vector<1x240xf32> -> vector<1x10240xf32>
    %reshape3A = vector.shape_cast %concatenate3A : vector<1x10240xf32> to vector<10240xf32>
    %swap3A = arith.constant 0 : index
    %swap3A_29 = vector.load %arg7[%swap3A] : memref<40960xf32, #tpu.memory_space<vmem>>, vector<10240xf32>
    tpu.vector_store %arg7[%swap3A], %reshape3A {strides = array<i32>} : memref<40960xf32, #tpu.memory_space<vmem>>, vector<10240xf32>,
    %concatenate3A_30 = tpu.concatenate %dot_general3A_23, %broadcast_in_dim3A_28 in 1 : vector<1x10000xf32>, vector<1x240xf32> -> vector<1x10240xf32>
    %reshape3A_31 = vector.shape_cast %concatenate3A_30 : vector<1x10240xf32> to vector<10240xf32>
    %swap3A_32 = arith.constant 10240 : index
    %swap3A_33 = vector.load %arg7[%swap3A_32] : memref<40960xf32, #tpu.memory_space<vmem>>, vector<10240xf32>
    tpu.vector_store %arg7[%swap3A_32], %reshape3A_31 {strides = array<i32>} : memref<40960xf32, #tpu.memory_space<vmem>>, vector<10240xf32>,
    %concatenate3A_34 = tpu.concatenate %dot_general3A_25, %broadcast_in_dim3A_28 in 1 : vector<1x10000xf32>, vector<1x240xf32> -> vector<1x10240xf32>
    %reshape3A_35 = vector.shape_cast %concatenate3A_34 : vector<1x10240xf32> to vector<10240xf32>
    %swap3A_36 = arith.constant 20480 : index
    %swap3A_37 = vector.load %arg7[%swap3A_36] : memref<40960xf32, #tpu.memory_space<vmem>>, vector<10240xf32>
    tpu.vector_store %arg7[%swap3A_36], %reshape3A_35 {strides = array<i32>} : memref<40960xf32, #tpu.memory_space<vmem>>, vector<10240xf32>,
    %concatenate3A_38 = tpu.concatenate %dot_general3A_27, %broadcast_in_dim3A_28 in 1 : vector<1x10000xf32>, vector<1x240xf32> -> vector<1x10240xf32>
    %reshape3A_39 = vector.shape_cast %concatenate3A_38 : vector<1x10240xf32> to vector<10240xf32>
    %swap3A_40 = arith.constant 30720 : index
    %swap3A_41 = vector.load %arg7[%swap3A_40] : memref<40960xf32, #tpu.memory_space<vmem>>, vector<10240xf32>
    tpu.vector_store %arg7[%swap3A_40], %reshape3A_39 {strides = array<i32>} : memref<40960xf32, #tpu.memory_space<vmem>>, vector<10240xf32>,
    %get3A_42 = arith.constant 0 : index
    %get3A_43 = arith.constant 0 : index
    %get3A_44 = vector.load %arg5[%get3A_42, %get3A_43] : memref<2x320000xi32, #tpu.memory_space<vmem>>, vector<1x320000xi32>
    %get3A_45 = arith.constant 1 : index
    %get3A_46 = arith.constant 0 : index
    %get3A_47 = vector.load %arg5[%get3A_45, %get3A_46] : memref<2x320000xi32, #tpu.memory_space<vmem>>, vector<1x320000xi32>
    %mul3A = arith.constant 16384 : i32
    %mul3A_48 = vector.broadcast %mul3A : i32 to vector<1x320000xi32>
    %mul3A_49 = arith.muli %get3A_47, %mul3A_48 : vector<1x320000xi32>
    %add3A = arith.addi %get3A_44, %mul3A_49 : vector<1x320000xi32>
    %reshape3A_50 = vector.shape_cast %add3A : vector<1x320000xi32> to vector<320000xi32>
    %swap3A_51 = arith.constant 0 : index
    %swap3A_52 = vector.load %arg8[%swap3A_51] : memref<320000xi32, #tpu.memory_space<vmem>>, vector<320000xi32>
    tpu.vector_store %arg8[%swap3A_51], %reshape3A_50 {strides = array<i32>} : memref<320000xi32, #tpu.memory_space<vmem>>, vector<320000xi32>,
    %get3A_53 = arith.constant 0 : index
    %get3A_54 = vector.load %arg6[%get3A_53] : memref<10000xi32, #tpu.memory_space<vmem>>, vector<10000xi32>
    %reshape3A_55 = vector.shape_cast %get3A_54 : vector<10000xi32> to vector<1x10000xi32>
    %broadcast_in_dim3A_56 = arith.constant 0 : i32
    %broadcast_in_dim3A_57 = vector.broadcast %broadcast_in_dim3A_56 : i32 to vector<1x240xi32>
    %concatenate3A_58 = tpu.concatenate %reshape3A_55, %broadcast_in_dim3A_57 in 1 : vector<1x10000xi32>, vector<1x240xi32> -> vector<1x10240xi32>
    %reshape3A_59 = vector.shape_cast %concatenate3A_58 : vector<1x10240xi32> to vector<10240xi32>
    %swap3A_60 = arith.constant 0 : index
    %swap3A_61 = vector.load %arg9[%swap3A_60] : memref<10240xi32, #tpu.memory_space<vmem>>, vector<10240xi32>
    tpu.vector_store %arg9[%swap3A_60], %reshape3A_59 {strides = array<i32>} : memref<10240xi32, #tpu.memory_space<vmem>>, vector<10240xi32>,
    return
  }
}

module attributes {stable_mosaic.version = 14 : i64} {
  func.func @_tc2_body(%arg0: memref<32x10240xf32, #tpu.memory_space<vmem>>, %arg1: memref<32x10240xf32, #tpu.memory_space<vmem>>, %arg2: memref<40960xf32, #tpu.memory_space<vmem>>, %arg3: memref<1x10240xf32, #tpu.memory_space<vmem>>, %arg4: memref<1x128xf32, #tpu.memory_space<vmem>>, %arg5: memref<256x1xf32, #tpu.memory_space<vmem>>, %arg6: memref<1x1xf32, #tpu.memory_space<vmem>>, %arg7: memref<1x1xf32, #tpu.memory_space<vmem>>) attributes {dimension_semantics = [], scalar_prefetch = 0 : i64, scratch_operands = 0 : i64, tpu.core_type = #tpu.core_type<tc>} {
    %get3A = arith.constant 0 : index
    %get3A_0 = vector.load %arg2[%get3A] : memref<40960xf32, #tpu.memory_space<vmem>>, vector<10240xf32>
    %reshape3A = vector.shape_cast %get3A_0 : vector<10240xf32> to vector<1x10240xf32>
    %get3A_1 = arith.constant 10240 : index
    %get3A_2 = vector.load %arg2[%get3A_1] : memref<40960xf32, #tpu.memory_space<vmem>>, vector<10240xf32>
    %reshape3A_3 = vector.shape_cast %get3A_2 : vector<10240xf32> to vector<1x10240xf32>
    %get3A_4 = arith.constant 20480 : index
    %get3A_5 = vector.load %arg2[%get3A_4] : memref<40960xf32, #tpu.memory_space<vmem>>, vector<10240xf32>
    %reshape3A_6 = vector.shape_cast %get3A_5 : vector<10240xf32> to vector<1x10240xf32>
    %get3A_7 = arith.constant 30720 : index
    %get3A_8 = vector.load %arg2[%get3A_7] : memref<40960xf32, #tpu.memory_space<vmem>>, vector<10240xf32>
    %reshape3A_9 = vector.shape_cast %get3A_8 : vector<10240xf32> to vector<1x10240xf32>
    %add3A = arith.addf %reshape3A, %reshape3A_3 : vector<1x10240xf32>
    %gt3A = arith.constant 0.000000e+00 : f32
    %gt3A_10 = vector.broadcast %gt3A : f32 to vector<1x10240xf32>
    %gt3A_11 = arith.cmpf ogt, %add3A, %gt3A_10 : vector<1x10240xf32>
    %mul3A = arith.constant 2.000000e-01 : f32
    %mul3A_12 = vector.broadcast %mul3A : f32 to vector<1x10240xf32>
    %mul3A_13 = arith.mulf %mul3A_12, %add3A : vector<1x10240xf32>
    %select_n3A = arith.select %gt3A_11, %add3A, %mul3A_13 : vector<1x10240xi1>, vector<1x10240xf32>
    %sub3A = arith.subf %select_n3A, %reshape3A_3 : vector<1x10240xf32>
    %exp3A = math.exp %sub3A : vector<1x10240xf32>
    %get3A_14 = arith.constant 0 : index
    %get3A_15 = arith.constant 0 : index
    %get3A_16 = vector.load %arg0[%get3A_14, %get3A_15] : memref<32x10240xf32, #tpu.memory_space<vmem>>, vector<32x10240xf32>
    %reduce_sum3A = arith.constant dense<0.000000e+00> : vector<10240xf32>
    %reduce_sum3A_17 = vector.multi_reduction <add>, %get3A_16, %reduce_sum3A [0] : vector<32x10240xf32> to vector<10240xf32>
    %broadcast_in_dim3A = vector.shape_cast %reduce_sum3A_17 : vector<10240xf32> to vector<1x10240xf32>
    %add3A_18 = arith.addf %broadcast_in_dim3A, %exp3A : vector<1x10240xf32>
    %get3A_19 = arith.constant 0 : index
    %get3A_20 = arith.constant 0 : index
    %get3A_21 = vector.load %arg1[%get3A_19, %get3A_20] : memref<32x10240xf32, #tpu.memory_space<vmem>>, vector<32x10240xf32>
    %reduce_sum3A_22 = arith.constant dense<0.000000e+00> : vector<10240xf32>
    %reduce_sum3A_23 = vector.multi_reduction <add>, %get3A_21, %reduce_sum3A_22 [0] : vector<32x10240xf32> to vector<10240xf32>
    %broadcast_in_dim3A_24 = vector.shape_cast %reduce_sum3A_23 : vector<10240xf32> to vector<1x10240xf32>
    %mul3A_25 = arith.mulf %exp3A, %reshape3A_6 : vector<1x10240xf32>
    %add3A_26 = arith.addf %broadcast_in_dim3A_24, %mul3A_25 : vector<1x10240xf32>
    %get3A_27 = arith.constant 0 : index
    %get3A_28 = arith.constant 0 : index
    %get3A_29 = vector.load %arg5[%get3A_27, %get3A_28] : memref<256x1xf32, #tpu.memory_space<vmem>>, vector<256x1xf32>
    %slice3A = vector.extract_strided_slice %get3A_29 {offsets = [0, 0], sizes = [128, 1], strides = [1, 1]} : vector<256x1xf32> to vector<128x1xf32>
    %get3A_30 = arith.constant 0 : index
    %get3A_31 = arith.constant 0 : index
    %get3A_32 = vector.load %arg4[%get3A_30, %get3A_31] : memref<1x128xf32, #tpu.memory_space<vmem>>, vector<1x128xf32>
    %dot_general3A = arith.constant dense<0.000000e+00> : vector<1x1xf32>
    %dot_general3A_33 = tpu.matmul %get3A_32, %slice3A, %dot_general3A {dimension_numbers = #tpu.dot_dimension_numbers<[1], [0], [0], [1], [0, 0, 1, 1], [], []>, transpose_lhs_hint = false} : vector<1x128xf32>, vector<128x1xf32>, vector<1x1xf32> -> vector<1x1xf32>
    %add3A_34 = arith.constant 1.000000e-16 : f32
    %add3A_35 = vector.broadcast %add3A_34 : f32 to vector<1x10240xf32>
    %add3A_36 = arith.addf %add3A_18, %add3A_35 : vector<1x10240xf32>
    %div3A = arith.divf %add3A_26, %add3A_36 : vector<1x10240xf32>
    %squeeze3A = vector.extract %dot_general3A_33[0, 0] : f32 from vector<1x1xf32>
    %get3A_37 = arith.constant 0 : index
    %get3A_38 = arith.constant 0 : index
    %get3A_39 = vector.load %arg6[%get3A_37, %get3A_38] : memref<1x1xf32, #tpu.memory_space<vmem>>, vector<1x1xf32>
    %get3A_40 = vector.extract %get3A_39[0, 0] : f32 from vector<1x1xf32>
    %add3A_41 = arith.addf %squeeze3A, %get3A_40 : f32
    %add3A_42 = vector.broadcast %add3A_41 : f32 to vector<1x10240xf32>
    %add3A_43 = arith.addf %div3A, %add3A_42 : vector<1x10240xf32>
    %add3A_44 = arith.addf %add3A_43, %reshape3A_9 : vector<1x10240xf32>
    %get3A_45 = arith.constant 0 : index
    %get3A_46 = arith.constant 0 : index
    %get3A_47 = vector.load %arg3[%get3A_45, %get3A_46] : memref<1x10240xf32, #tpu.memory_space<vmem>>, vector<1x10240xf32>
    %add3A_48 = arith.addf %add3A_43, %get3A_47 : vector<1x10240xf32>
    %abs3A = math.absf %add3A_44 : vector<1x10240xf32>
    %max3A = arith.constant 9.99999996E-13 : f32
    %max3A_49 = vector.broadcast %max3A : f32 to vector<1x10240xf32>
    %max3A_50 = arith.maximumf %abs3A, %max3A_49 : vector<1x10240xf32>
    %div3A_51 = arith.divf %add3A_44, %max3A_50 : vector<1x10240xf32>
    %abs3A_52 = math.absf %add3A_48 : vector<1x10240xf32>
    %max3A_53 = arith.constant 9.99999996E-13 : f32
    %max3A_54 = vector.broadcast %max3A_53 : f32 to vector<1x10240xf32>
    %max3A_55 = arith.maximumf %abs3A_52, %max3A_54 : vector<1x10240xf32>
    %div3A_56 = arith.divf %add3A_48, %max3A_55 : vector<1x10240xf32>
    %iota3A = tpu.iota {dimensions = array<i32: 1>} : vector<1x10240xi32>
    %lt3A = arith.constant 10000 : i32
    %lt3A_57 = vector.broadcast %lt3A : i32 to vector<1x10240xi32>
    %lt3A_58 = arith.cmpi slt, %iota3A, %lt3A_57 : vector<1x10240xi32>
    %jit3A = arith.constant 0.000000e+00 : f32
    %broadcast_in_dim3A_59 = vector.broadcast %jit3A : f32 to vector<1x10240xf32>
    %select_n3A_60 = arith.select %lt3A_58, %div3A_51, %broadcast_in_dim3A_59 : vector<1x10240xi1>, vector<1x10240xf32>
    %reduce_sum3A_61 = vector.shape_cast %select_n3A_60 : vector<1x10240xf32> to vector<1x1x10240xf32>
    %reduce_sum3A_62 = arith.constant dense<0.000000e+00> : vector<1xf32>
    %reduce_sum3A_63 = vector.multi_reduction <add>, %reduce_sum3A_61, %reduce_sum3A_62 [1, 2] : vector<1x1x10240xf32> to vector<1xf32>
    %reduce_sum3A_64 = vector.shape_cast %reduce_sum3A_63 : vector<1xf32> to vector<1x1x1xf32>
    %reduce_sum3A_65 = vector.extract %reduce_sum3A_64[0, 0, 0] : f32 from vector<1x1x1xf32>
    %exp3A_66 = math.exp %div3A_56 : vector<1x10240xf32>
    %jit3A_67 = arith.constant 0.000000e+00 : f32
    %broadcast_in_dim3A_68 = vector.broadcast %jit3A_67 : f32 to vector<1x10240xf32>
    %select_n3A_69 = arith.select %lt3A_58, %exp3A_66, %broadcast_in_dim3A_68 : vector<1x10240xi1>, vector<1x10240xf32>
    %reduce_sum3A_70 = vector.shape_cast %select_n3A_69 : vector<1x10240xf32> to vector<1x1x10240xf32>
    %reduce_sum3A_71 = arith.constant dense<0.000000e+00> : vector<1xf32>
    %reduce_sum3A_72 = vector.multi_reduction <add>, %reduce_sum3A_70, %reduce_sum3A_71 [1, 2] : vector<1x1x10240xf32> to vector<1xf32>
    %reduce_sum3A_73 = vector.shape_cast %reduce_sum3A_72 : vector<1xf32> to vector<1x1x1xf32>
    %reduce_sum3A_74 = vector.extract %reduce_sum3A_73[0, 0, 0] : f32 from vector<1x1x1xf32>
    %div3A_75 = arith.constant 1.000000e+04 : f32
    %div3A_76 = arith.divf %reduce_sum3A_65, %div3A_75 : f32
    %div3A_77 = arith.constant 1.000000e+04 : f32
    %div3A_78 = arith.divf %reduce_sum3A_74, %div3A_77 : f32
    %log3A = math.log %div3A_78 : f32
    %sub3A_79 = arith.subf %div3A_76, %log3A : f32
    %reshape3A_80 = vector.broadcast %sub3A_79 : f32 to vector<1x1xf32>
    %swap3A = arith.constant 0 : index
    %swap3A_81 = arith.constant 0 : index
    %swap3A_82 = vector.load %arg7[%swap3A, %swap3A_81] : memref<1x1xf32, #tpu.memory_space<vmem>>, vector<1x1xf32>
    tpu.vector_store %arg7[%swap3A, %swap3A_81], %reshape3A_80 {strides = array<i32>} : memref<1x1xf32, #tpu.memory_space<vmem>>, vector<1x1xf32>,
    return
  }
}

</mosaic_0001>

<sc_bundles>
// kernel: kernel.5.cloned.1.call-start
scs
__scs_entry_jumppad:
0x0: {  	(pc) =	sbr.rel $0x88, $3  }
0x1: {  	(tag) =	ssettag $0x0;
	lr =	simm.s32 $0x1  }
0x2: {  	[smem:$0x3F98] =	sst lr;
	_ =	strace $0xD0000000  }
0x3: {  	_ = 	snop  }
0x4: {  	_ = 	snop  }
0x5: {  	_ = 	snop  }
0x6: {  	_ = 	snop  }
0x7: {  	_ = 	snop  }
__scs_overlays_trampoline_lowered:
0x8: {  	[smem:$0x3FA7] =	sst s0  }
0x9: {  	[smem:$0x3FA8] =	sst s1  }
0xa: {  	[smem:$0x3FA9] =	sst s2  }
0xb: {  	[smem:$0x3FAA] =	sst s3  }
0xc: {  	[smem:$0x3FAB] =	sst s4  }
0xd: {  	[smem:$0x3FAC] =	sst s5  }
0xe: {  	[smem:$0x3FAD] =	sst s6  }
0xf: {  	[smem:$0x3FAE] =	sst s7  }
0x10: {  	[smem:$0x3FAF] =	sst s8  }
0x11: {  	[smem:$0x3FB0] =	sst s9;
	s0 =	simm.s32 @!p0 $0x0  }
0x12: {  	s1 =	sld [smem:$0x3F96];
	s0 =	simm.s32 @p0 $0x1  }
0x13: {  	[smem:$0x3FB1] =	sst s0;
	s0 =	simm.s32 @!p1 $0x0  }
0x14: {  	s2 =	sld [smem:$0x3F95];
	s0 =	simm.s32 @p1 $0x1  }
0x15: {  	[smem:$0x3FB2] =	sst s0;
	s0 =	simm.s32 @!p2 $0x0  }
0x16: {  	s3 =	sld [smem:$0x3FDB];
	s0 =	simm.s32 @p2 $0x1  }
0x17: {  	s4 =	simm.s32 $0x1BF5;
	[smem:$0x3FB4] =	sst s0  }
0x18: {  	s0 =	sld [smem:$0x3F97];
	_ =	swait.ge [sflag:s4], $0x0  }
0x19: {  	s7 =	sld [smem:$0x3F98]  }
0x1a: {  	s8 =	sadd.s32 $0xFFFFE003, lr  }
0x1b: {  	s9 =	sadd.s32 $0xFFFFFEF7, lr;
	s5 =	simm.s32 $0xFFFFFFFF;
	p2 =	slt.u32 s8, $0xFFFFF086  }
0x1c: {  	p1 =	slt.u32 s9, $0xF7A;
	s5 =	simm.s32 @!p2 $0x0  }
0x1d: {  	s5 =	simm.s32 @p1 $0x1;
	p0 =	seq.s32 s7, s2  }
0x1e: {  	s7 =	smul.u32 @!p0 $0xF7A, s2;
	p2 =	seq.s32 @!p0 s5, $0x0  }
0x1f: {  	s9 =	smul.u32 $0xF7A, s1;
	s8 =	simm.s32 @!p0 $0x1BF5;
	p2 =	por !p2, p0  }
0x20: {  	[sflag:s8] =	ssyncset.s32 @!p0 $0xFFFFF086;
	s6 =	sadd.s32 @!p0 s3, s7;
	s7 =	simm.s32 @!p0 $0x108  }
0x21: {  	s3 =	sadd.s32 s3, s9;
	s6 =	sadd.s32 @!p0 $0x88, s6;
	s7 =	simm.s32 @p2 $0x1082  }
0x22: {  	[simem:s7], [sflag:s8] =	dma.local @!p0 [hbm:s6], $0xF7A  }
0x23: {  	s9 =	sor.u32 $0xD0000000, s2;
	s6 =	simm.s32 $0x108;
	_ =	swait.ge @!p0 [sflag:s8], $0x0  }
0x24: {  	s3 =	sadd.s32 $0x88, s3;
	s6 =	simm.s32 @!p1 $0x1082;
	[sflag:s4] =	ssyncset.s32 $0xFFFFF086  }
0x25: {  	[simem:s6], [sflag:s4] =	dma.local [hbm:s3], $0xF7A  }
0x26: {  	[smem:$0x3F98] =	sst s1;
	(tag) =	ssettag s2;
	_ =	strace s9  }
0x27: {  	s1 =	sld [smem:$0x3FA8]  }
0x28: {  	s2 =	sld [smem:$0x3FA9]  }
0x29: {  	s4 =	sld [smem:$0x3FAB]  }
0x2a: {  	p0 =	seq.s32 s5, $0x0;
	s5 =	sld [smem:$0x3FAC]  }
0x2b: {  	s6 =	sld [smem:$0x3FAD]  }
0x2c: {  	s7 =	sld [smem:$0x3FAE]  }
0x2d: {  	s3 =	simm.s32 $0x108;
	s8 =	sld [smem:$0x3FAF]  }
0x2e: {  	s3 =	simm.s32 @!p0 $0x1082;
	s9 =	sld [smem:$0x3FB0]  }
0x2f: {  	lr =	sadd.s32 s0, s3;
	s0 =	sld [smem:$0x3FA7]  }
0x30: {  	s3 =	sld [smem:$0x3FAA]  }
0x31: {  	[smem:$0x3FB3] =	sst s10  }
0x32: {  	s10 =	sld [smem:$0x3FB1];
	_ =	sdelay $0x3  }
0x33: {  	p0 =	seq.s32 s10, $0x1;
	s10 =	sld [smem:$0x3FB3];
	_ =	sdelay $0x3  }
0x34: {  	[smem:$0x3FB3] =	sst s10  }
0x35: {  	s10 =	sld [smem:$0x3FB2];
	_ =	sdelay $0x3  }
0x36: {  	p1 =	seq.s32 s10, $0x1;
	s10 =	sld [smem:$0x3FB3];
	_ =	sdelay $0x3  }
0x37: {  	[smem:$0x3FB3] =	sst s10  }
0x38: {  	s10 =	sld [smem:$0x3FB4]  }
0x39: {  	_ = 	snop;
	(pc) =	sbr.ind lr, $3  }
0x3a: {  	_ = 	snop  }
0x3b: {  	_ = 	snop  }
0x3c: {  	p2 =	seq.s32 s10, $0x1;
	s10 =	sld [smem:$0x3FB3]  }
0x3d: {  	_ =	shalt  }
0x3e: {  	_ =	shalt  }
0x3f: {  	_ =	shalt  }
0x40: {  	_ =	shalt  }
0x41: {  	_ =	shalt  }
0x42: {  	_ =	shalt  }
0x43: {  	_ =	shalt  }
0x44: {  	_ =	shalt  }
0x45: {  	_ =	shalt  }
0x46: {  	_ =	shalt  }
0x47: {  	_ =	shalt  }
0x48: {  	_ =	shalt  }
0x49: {  	_ =	shalt  }
0x4a: {  	_ =	shalt  }
0x4b: {  	_ =	shalt  }
0x4c: {  	_ =	shalt  }
0x4d: {  	_ =	shalt  }
0x4e: {  	_ =	shalt  }
0x4f: {  	_ =	shalt  }
0x50: {  	_ =	shalt  }
0x51: {  	_ =	shalt  }
0x52: {  	_ =	shalt  }
0x53: {  	_ =	shalt  }
0x54: {  	_ =	shalt  }
0x55: {  	_ =	shalt  }
0x56: {  	_ =	shalt  }
0x57: {  	_ =	shalt  }
0x58: {  	_ =	shalt  }
0x59: {  	_ =	shalt  }
0x5a: {  	_ =	shalt  }
0x5b: {  	_ =	shalt  }
0x5c: {  	_ =	shalt  }
0x5d: {  	_ =	shalt  }
0x5e: {  	_ =	shalt  }
0x5f: {  	_ =	shalt  }
0x60: {  	_ =	shalt  }
0x61: {  	_ =	shalt  }
0x62: {  	_ =	shalt  }
0x63: {  	_ =	shalt  }
0x64: {  	_ =	shalt  }
0x65: {  	_ =	shalt  }
0x66: {  	_ =	shalt  }
0x67: {  	_ =	shalt  }
0x68: {  	_ =	shalt  }
0x69: {  	_ =	shalt  }
0x6a: {  	_ =	shalt  }
0x6b: {  	_ =	shalt  }
0x6c: {  	_ =	shalt  }
0x6d: {  	_ =	shalt  }
0x6e: {  	_ =	shalt  }
0x6f: {  	_ =	shalt  }
0x70: {  	_ =	shalt  }
0x71: {  	_ =	shalt  }
0x72: {  	_ =	shalt  }
0x73: {  	_ =	shalt  }
0x74: {  	_ =	shalt  }
0x75: {  	_ =	shalt  }
0x76: {  	_ =	shalt  }
0x77: {  	_ =	shalt  }
0x78: {  	_ =	shalt  }
0x79: {  	_ =	shalt  }
0x7a: {  	_ =	shalt  }
0x7b: {  	_ =	shalt  }
0x7c: {  	_ =	shalt  }
0x7d: {  	_ =	shalt  }
0x7e: {  	_ =	shalt  }
0x7f: {  	_ =	shalt  }
0x80: {  	_ =	shalt  }
0x81: {  	_ =	shalt  }
0x82: {  	_ =	shalt  }
0x83: {  	_ =	shalt  }
0x84: {  	_ =	shalt  }
0x85: {  	_ =	shalt  }
0x86: {  	_ =	shalt  }
0x87: {  	_ =	shalt  }
.Lfunc_end0:
.L_simem_size_0:
called_computation_lowered:
.L_overlay_start_0:
0x88: {  	s2 =	sld [smem:$0x3FD9]  }
0x89: {  	s3 =	sld [smem:$0x3FFE];
	_ =	sdelay $0x1  }
0x8a: {  	s1 =	srdreg.scid  }
0x8b: {  	s0 =	sand.u32 $0x1, s1  }
0x8c: {  	s16 =	sshll.u32 s0, $0xA;
	s2 =	sadd.s32 s3, s2  }
0x8d: {  	s2 =	sadd.s32 s2, s16  }
0x8e: {  	[smem:$0x3FBF] =	sst s2  }
0x8f: {  	_ = 	snop  }
0x90: {  	(tm) =	ssettm $0x1  }
0x91: {  	s17 =	sld [smem:$0x3FFB];
	_ =	sdelay $0x3  }
0x92: {  	_ =	strace s17  }
0x93: {  	s2 =	sld [smem:$0x3FFC];
	_ =	sdelay $0x3  }
0x94: {  	_ =	strace s2  }
0x95: {  	s2 =	sld [smem:$0x3FFD];
	_ =	sdelay $0x3  }
0x96: {  	_ =	strace s2  }
0x97: {  	_ =	strace $0x8FFFFFFF  }
0x98: {  	s18 =	sld [smem:$0x3FDB];
	_ =	sdelay $0x1  }
0x99: {  	s19 =	simm.s32 $_scs_section_size  }
0x9a: {  	s4 =	simm.s32 $_size__tile_overlayer_lowered;
	s5 =	simm.s32 $_tile_overlayer_lowered  }
0x9b: {  	s22 =	simm.s32 $0x1BFF;
	s21 =	sshll.u32 s5, $0x1;
	s2 =	sadd.s32 s19, s18  }
0x9c: {  	s6 =	simm.s32 $0x0;
	s20 =	sshll.u32 s4, $0x1;
	s4 =	sadd.s32 s21, s2  }
0x9d: {  	[timem:s6], [sflag:s22] =	dma.local [hbm:s4], s20  }
0x9e: {  	_ =	swait.ge [sflag:s22], s20  }
0x9f: {  	s3 =	ssub.s32 $0x0, s20;
	[sflag:s22] =	ssyncset.done $0x0  }
0xa0: {  	[sflag:s22] =	ssyncadd.s32 s3;
	_ =	sdelay $0x1  }
0xa1: {  	s23 =	simm.s32 $0x1B8B  }
0xa2: {  	_ =	swait.ge [sflag:s23], $0x1  }
0xa3: {  	[sflag:s23] =	ssyncset.done $0x0  }
0xa4: {  	s25 =	simm.s32 $0x1B8E;
	s24 =	sld [smem:$0x3FFE];
	[sflag:s23] =	ssyncadd.s32 $0xFFFFFFFF  }
0xa5: {  	s26 =	simm.s32 $execute0_lowered;
	[smem:$0x3FD2] =	sst s25  }
0xa6: {  	s4 =	sshll.u32 s26, $0x1;
	_ =	strace $0x80000046;
	[dreg:$0x1] =	wrdreg $0xFFFFFFFF  }
0xa7: {  	s28 =	simm.s32 $_size_execute0_lowered;
	s2 =	sadd.s32 s2, s4;
	[dreg:$0x0] =	wrdreg $0x0  }
0xa8: {  	s4 =	sshll.u32 s28, $0x1;
	[dreg:$0x2] =	wrdreg s2  }
0xa9: {  	[dreg:$0x3] =	wrdreg s4  }
0xaa: {  	[dreg:$0x4] =	wrdreg $0xC0  }
0xab: {  	_ =	task [dreg:s6], $0x5FFFF  }
0xac: {  	[dreg:$0x1] =	wrdreg $0xFFFFFFFF  }
0xad: {  	[dreg:$0x0] =	wrdreg $0x60  }
0xae: {  	[dreg:$0x2] =	wrdreg s24  }
0xaf: {  	[dreg:$0x3] =	wrdreg $0x9  }
0xb0: {  	_ =	task.clear_ibuf [dreg:s6], $0x4FFFF;
	_ =	strace $0x90000046  }
0xb1: {  	s29 =	simm.s32 $0x9;
	_ =	strace $0x80000048  }
0xb2: {  	_ =	swait.ge [sflag:s29], $0x1  }
0xb3: {  	[sflag:s29] =	ssyncadd.s32 $0xFFFFFFFF  }
0xb4: {  	_ =	strace $0x90000048  }
0xb5: {  	_ =	sfence  }
0xb6: {  	s30 =	sld [smem:$0x0];
	_ =	sdelay $0x2  }
0xb7: {  	s31 =	sshll.u32 s1, $0xD;
	s1 =	sshrl.u32 s1, $0x2  }
0xb8: {  	s3 =	sand.u32 $0x4000, s31;
	s1 =	sadd.s32 s1, s30  }
0xb9: {  	s0 =	sor.u32 s3, s0;
	s1 =	sshll.u32 s1, $0x11  }
0xba: {  	s0 =	sor.u32 s1, s0  }
0xbb: {  	s0 =	sadd.s32 $0x8F2B, s0  }
0xbc: {  	[sflag:s0] =	ssyncadd.remote.s32 $0x1  }
0xbd: {  	_ =	sfence.sel $0xFFFF  }
0xbe: {  	[dreg:$0x0] =	wrdreg $0xFFFFFFFF;
	(pc) =	sbr.abs _section_cstart, $3  }
0xbf: {  	[dreg:$0x1] =	wrdreg $0xFFFFFFFF  }
0xc0: {  	_ =	task.clear_ibuf [dreg:s6], $0x2FFFF;
	_ =	strace $0x9FFFFFFF  }
0xc1: {  	(tm) =	ssettm $0x7FFFFFFF  }
tec
execute0_lowered:
.L_overlay_start_1:
0x0: {  	(tag) =	ssettag $0x1  }
0x1: {  	s0 =	srdreg.scid  }
0x2: {  	s7 =	rddreg [dreg:$0x0];
	s1 =	stileid.u32  }
0x3: {  	s13 =	simm.s32 $0xF000;
	s14 =	simm.s32 $0x2800;
	s15 =	simm.s32 $0x5000  }
0x4: {  	s16 =	simm.s32 $0x7800;
	s17 =	simm.s32 $0x11780;
	s18 =	simm.s32 $0x1  }
0x5: {  	s19 =	simm.s32 $0xA000;
	s20 =	simm.s32 $0xC800;
	s21 =	simm.s32 $0x2  }
0x6: {  	s22 =	simm.s32 $0x80;
	s23 =	simm.s32 $0x400;
	s24 =	simm.s32 $0x3  }
0x7: {  	s25 =	simm.s32 $0x11900;
	s26 =	simm.s32 $0x0;
	s4 =	sand.u32 $0x1, s0  }
0x8: {  	s0 =	rddreg [dreg:$0x1];
	s8 =	sshll.u32 s1, $0x7;
	s2 =	sshll.u32 s4, $0x4  }
0x9: {  	s8 =	sand.u32 $0x380, s8;
	s4 =	ssub.s32 $0x2, s4;
	s3 =	sor.u32 s1, s2  }
0xa: {  	s2 =	simm.s32 $0x0;
	s31 =	sshrl.u32 s4, $0x1;
	s5 =	smul.u32 $0x4E2, s3  }
0xb: {  	s6 =	sshrl.u32 s3, $0x3;
	[smem:$0x7FF] =	sst s2;
	s30 =	smul.u32 $0x28, s3  }
0xc: {  	s3 =	sadd.s32 $0xC400, s7;
	s12 =	ssub.s32 s4, s31;
	s6 =	smul.u32 $0x14000, s6  }
0xd: {  	_ =	strace $0x80000047;
	s12 =	smax.u32 s12, $0x1;
	s5 =	sadd.s32 s5, s7  }
0xe: {  	s11 =	sadd.s32 s30, s7;
	s6 =	sor.u32 s8, s6;
	s4 =	sadd.s32 $0x2600, s5  }
0xf: {  	s5 =	sadd.s32 $0xC900, s7;
	s8 =	sadd.s32 $0xD800, s11;
	s6 =	sshrl.u32 s6, $0x3  }
0x10: {  	s11 =	sadd.s32 $0x21E00, s11;
	s10 =	sadd.s32 s6, s7;
	s6 =	sadd.s32 $0xCE00, s7  }
0x11: {  	v0 =	vimm.f32 $0.0e+00;
	s7 =	sadd.s32 $0xD300, s7;
	s9 =	sadd.s32 $0xDE00, s10;
	s10 =	sadd.s32 $0x17E00, s10  }
.LBB2_1:
0x12: {  	[tilespmem:s13], [sflag:$0x1] =	stream.linear.gather [hbm4b:s4+s2], $0x2710, $0x38;
	[tilespmem:$0x11A80] =	vst v63  }
0x13: {  	_ = 	snop  }
0x14: {  	[tilespmem:s2], [sflag:$0x1] =	stream.linear.gather [hbm4b:s3+s2], $0x2800, $0x38;
	[tilespmem:$0x11A80] =	vst v63  }
0x15: {  	_ = 	snop  }
0x16: {  	[tilespmem:s14], [sflag:$0x1] =	stream.linear.gather [hbm4b:s5+s2], $0x2800, $0x38;
	[tilespmem:$0x11A80] =	vst v63  }
0x17: {  	_ = 	snop  }
0x18: {  	[tilespmem:s15], [sflag:$0x1] =	stream.linear.gather [hbm4b:s6+s2], $0x2800, $0x38;
	[tilespmem:$0x11A80] =	vst v63  }
0x19: {  	_ = 	snop  }
0x1a: {  	[tilespmem:s16], [sflag:$0x2] =	stream.linear.gather [hbm4b:s7+s2], $0x2800, $0x38;
	[tilespmem:$0x11A80] =	vst v63  }
0x1b: {  	s28 =	simm.s32 $0xA040  }
0x1c: {  	[tilespmem:s17], [sflag:$0x2] =	stream.linear.gather [hbm4b:s8+s2], $0x140, $0x38;
	[tilespmem:$0x11A80] =	vst v63  }
0x1d: {  	[tilespmem:s28+$0x30] =	vst v0  }
0x1e: {  	[tilespmem:s28+$0xFFFFFFF0] =	vst v0  }
0x1f: {  	[tilespmem:s28+$0xFFFFFFC0] =	vst v0  }
0x20: {  	[tilespmem:s28+$0xFFFFFFE0] =	vst v0  }
0x21: {  	[tilespmem:s28+$0x10] =	vst v0  }
0x22: {  	[tilespmem:s28+$0x20] =	vst v0  }
0x23: {  	[tilespmem:s28+$0x0] =	vst v0  }
0x24: {  	s29 =	simm.s32 $0xC840;
	[tilespmem:s28+$0xFFFFFFD0] =	vst v0  }
0x25: {  	[tilespmem:s29+$0xFFFFFFC0] =	vst v0  }
0x26: {  	[tilespmem:s29+$0x30] =	vst v0  }
0x27: {  	[tilespmem:s29+$0x20] =	vst v0  }
0x28: {  	[tilespmem:s29+$0x10] =	vst v0  }
0x29: {  	[tilespmem:s29+$0xFFFFFFE0] =	vst v0  }
0x2a: {  	[tilespmem:s29+$0x0] =	vst v0  }
0x2b: {  	s30 =	simm.s32 $0x0;
	[tilespmem:s29+$0xFFFFFFF0] =	vst v0  }
.LBB2_2:
0x2c: {  	s30 =	sadd.s32 $0x8, s30;
	[tilespmem:s29+$0xFFFFFFD0] =	vst v0;
	s28 =	sadd.s32 $0x80, s28;
	s29 =	sadd.s32 $0x80, s29  }
0x2d: {  	[tilespmem:s28+$0x30] =	vst v0;
	p0 =	slt.u32 s30, $0x278  }
0x2e: {  	[tilespmem:s28+$0xFFFFFFF0] =	vst v0  }
0x2f: {  	[tilespmem:s28+$0xFFFFFFC0] =	vst v0  }
0x30: {  	[tilespmem:s29+$0xFFFFFFC0] =	vst v0  }
0x31: {  	[tilespmem:s29+$0x30] =	vst v0  }
0x32: {  	[tilespmem:s28+$0xFFFFFFE0] =	vst v0  }
0x33: {  	[tilespmem:s28+$0x10] =	vst v0  }
0x34: {  	[tilespmem:s28+$0x20] =	vst v0  }
0x35: {  	[tilespmem:s29+$0x20] =	vst v0  }
0x36: {  	[tilespmem:s29+$0x10] =	vst v0  }
.Ltmp0:
0x37: {  	[tilespmem:s29+$0xFFFFFFE0] =	vst v0;
	(pc) =	sbr.rel @p0 .LBB2_2-.Ltmp0, $4  }
0x38: {  	[tilespmem:s28+$0x0] =	vst v0  }
0x39: {  	[tilespmem:s29+$0x0] =	vst v0  }
0x3a: {  	[tilespmem:s29+$0xFFFFFFF0] =	vst v0  }
0x3b: {  	[tilespmem:s28+$0xFFFFFFD0] =	vst v0  }
0x3c: {  	[tilespmem:s29+$0xFFFFFFD0] =	vst v0  }
0x3d: {  	_ =	swait.ge [sflag:s18], $0x2710  }
0x3e: {  	[sflag:s18] =	ssyncset.done $0x0  }
0x3f: {  	[sflag:s18] =	ssyncadd.s32 $0xFFFFD8F0  }
0x40: {  	_ =	swait.ge [sflag:s18], $0x2800  }
0x41: {  	[sflag:s18] =	ssyncset.done $0x0  }
0x42: {  	[sflag:s18] =	ssyncadd.s32 $0xFFFFD800  }
0x43: {  	_ =	swait.ge [sflag:s18], $0x2800  }
0x44: {  	[sflag:s18] =	ssyncset.done $0x0  }
0x45: {  	[sflag:s18] =	ssyncadd.s32 $0xFFFFD800  }
0x46: {  	_ =	swait.ge [sflag:s18], $0x2800  }
0x47: {  	[sflag:s18] =	ssyncset.done $0x0  }
0x48: {  	s28 =	simm.s32 $0xF040;
	[sflag:s18] =	ssyncadd.s32 $0xFFFFD800  }
0x49: {  	v1 =	vld [tilespmem:s28+$0xFFFFFFC0];
	_ =	sdelay $0x3  }
0x4a: {  	v2 =	vld [tilespmem:s28+$0x30]  }
0x4b: {  	v4 =	vand.u32 $0x3FFF, v1  }
0x4c: {  	v5 =	vld [tilespmem:s28+$0x20];
	v7 =	vshrl.u32 v1, $0xE  }
0x4d: {  	v10 =	vld [tilespmem:s28+$0x0]  }
0x4e: {  	v11 =	vld [tilespmem:s28+$0x10]  }
0x4f: {  	v12 =	vld [tilespmem:s28+$0xFFFFFFD0];
	v13 =	vand.u32 $0x3FFF, v2  }
0x50: {  	v6 =	vld.idx.msk [tilespmem:v4+s2+$0x0], $0xffff  }
0x51: {  	v3 =	vshrl.u32 v2, $0xE;
	v9 =	vld.idx.msk [tilespmem:v7+s14+$0x0], $0xffff  }
0x52: {  	v15 =	vld [tilespmem:s28+$0xFFFFFFE0];
	v8 =	vshrl.u32 v5, $0xE  }
0x53: {  	v1 =	vld [tilespmem:s28+$0xFFFFFFF0];
	v2 =	vshrl.u32 v10, $0xE  }
0x54: {  	v10 =	vand.u32 $0x3FFF, v10;
	v20 =	vld.idx.msk [tilespmem:v13+s2+$0x0], $0xffff  }
0x55: {  	v21 =	vand.u32 $0x3FFF, v5;
	v23 =	vld.idx.msk [tilespmem:v4+s15+$0x0], $0xffff  }
0x56: {  	v26 =	vand.u32 $0x3FFF, v11;
	v22 =	vld.idx.msk [tilespmem:v3+s14+$0x0], $0xffff;
	v5 =	vadd.f32 v9, v6  }
0x57: {  	v28 =	vand.u32 $0x3FFF, v15;
	v25 =	vld.idx.msk [tilespmem:v8+s14+$0x0], $0xffff  }
0x58: {  	v14 =	vand.u32 $0x3FFF, v1;
	v17 =	vld.idx.msk [tilespmem:v2+s14+$0x0], $0xffff;
	v4 =	vmul.f32 $2.000000030e-01, v5  }
0x59: {  	v1 =	vshrl.u32 v1, $0xE;
	v27 =	vld.idx.msk [tilespmem:v10+s2+$0x0], $0xffff;
	vm0 =	vgt.f32 v5, $0.0e+00  }
0x5a: {  	v6 =	vshrl.u32 v11, $0xE;
	v11 =	vld.idx.msk [tilespmem:v21+s2+$0x0], $0xffff;
	v4 =	vsel vm0, v5, v4  }
0x5b: {  	v29 =	vld.idx.msk [tilespmem:v26+s2+$0x0], $0xffff;
	v9 =	vsub.f32 v4, v9  }
0x5c: {  	v30 =	vld.idx.msk [tilespmem:v28+s2+$0x0], $0xffff  }
0x5d: {  	v24 =	vld.idx.msk [tilespmem:v14+s2+$0x0], $0xffff;
	v5 =	vshrl.u32 v15, $0xE;
	v16 =	vmul.f32 $1.442695020e+00, v9  }
0x5e: {  	v18 =	vld.idx.msk [tilespmem:v1+s14+$0x0], $0xffff;
	v4 =	vshrl.u32 v12, $0xE  }
0x5f: {  	v21 =	vld.idx.msk [tilespmem:v21+s15+$0x0], $0xffff;
	v11 =	vadd.f32 v25, v11;
	v9 =	vand.u32 $0x3FFF, v12;
	(erf) = vpow2.f32 v16  }
0x60: {  	v20 =	vadd.f32 v22, v20;
	v12 =	vld.idx.msk [tilespmem:v10+s15+$0x0], $0xffff  }
0x61: {  	v31 =	vmul.f32 $2.000000030e-01, v11;
	v16 =	vld.idx.msk [tilespmem:v6+s14+$0x0], $0xffff  }
0x62: {  	v27 =	vadd.f32 v17, v27;
	v33 =	vmul.f32 $2.000000030e-01, v20;
	vm13 =	vgt.f32 v11, $0.0e+00;
	v19 =	vld.idx.msk [tilespmem:v5+s14+$0x0], $0xffff  }
0x63: {  	vm14 =	vgt.f32 v20, $0.0e+00;
	v34 =	vadd.f32 v18, v24;
	v11 =	vsel vm13, v11, v31;
	v15 =	vld.idx.msk [tilespmem:v4+s14+$0x0], $0xffff  }
0x64: {  	v20 =	vsel vm14, v20, v33;
	v24 =	vsub.f32 v11, v25;
	v32 =	vld.idx.msk [tilespmem:v9+s2+$0x0], $0xffff  }
0x65: {  	v60 =	vmul.f32 $2.000000030e-01, v27;
	v25 =	vmul.f32 $2.000000030e-01, v34;
	v11 =	vld.idx.msk [tilespmem:v14+s15+$0x0], $0xffff;
	v14 =	vsub.f32 v20, v22  }
0x66: {  	vm15 =	vgt.f32 v27, $0.0e+00;
	vm1 =	vgt.f32 v34, $0.0e+00;
	v20 =	vld.idx.msk [tilespmem:v13+s15+$0x0], $0xffff;
	v61 =	vmul.f32 $1.442695020e+00, v24  }
0x67: {  	v13 =	vld.idx.msk [tilespmem:v26+s15+$0x0], $0xffff;
	v26 =	vsel vm15, v27, v60;
	v63 =	vmul.f32 $1.442695020e+00, v14;
	v25 =	vsel vm1, v34, v25  }
0x68: {  	v10 =	vld.idx.msk [tilespmem:v28+s15+$0x0], $0xffff;
	v22 =	vadd.f32 v16, v29;
	v24 =	vadd.f32 v19, v30;
	v62 =	vpop (erf);
	(erf) = vpow2.f32 v61  }
0x69: {  	s29 =	simm.s32 $0xF0C0;
	s28 =	simm.s32 $0x0;
	v14 =	vadd.f32 v15, v32;
	[tilespmem:v7+s19+$0x0] =	vst.idx.add.f32.msk $0xffff, v62;
	v23 =	vmul.f32 v62, v23;
	(erf) = vpow2.f32 v63  }
.LBB2_4:
0x6a: {  	v27 =	vld [tilespmem:s29+$0x30];
	s28 =	sadd.s32 $0x8, s28;
	vm0 =	vgt.f32 v24, $0.0e+00;
	v28 =	vmul.f32 $2.000000030e-01, v24;
	v17 =	vsub.f32 v26, v17  }
0x6b: {  	vm1 =	vgt.f32 v14, $0.0e+00;
	v18 =	vsub.f32 v25, v18;
	v26 =	vld [tilespmem:s29+$0x10];
	p0 =	slt.u32 s28, $0x268  }
0x6c: {  	v29 =	vmul.f32 $2.000000030e-01, v14;
	v25 =	vld [tilespmem:s29+$0xFFFFFFC0];
	v24 =	vsel vm0, v24, v28;
	v28 =	vmul.f32 $2.000000030e-01, v22  }
0x6d: {  	v18 =	vmul.f32 $1.442695020e+00, v18;
	vm0 =	vgt.f32 v22, $0.0e+00;
	v30 =	vld [tilespmem:s29+$0xFFFFFFD0];
	v19 =	vsub.f32 v24, v19  }
0x6e: {  	v29 =	vsel vm1, v14, v29;
	v17 =	vmul.f32 $1.442695020e+00, v17;
	v24 =	vld [tilespmem:s29+$0x0];
	v22 =	vsel vm0, v22, v28  }
0x6f: {  	v28 =	vld [tilespmem:s29+$0xFFFFFFE0];
	v14 =	vand.u32 $0x3FFF, v27;
	v19 =	vmul.f32 $1.442695020e+00, v19;
	v16 =	vsub.f32 v22, v16  }
0x70: {  	[tilespmem:v7+s20+$0x0] =	vst.idx.add.f32.msk $0xffff, v23;
	v7 =	vsub.f32 v29, v15;
	(erf) = vpow2.f32 v18  }
0x71: {  	v18 =	vshrl.u32 v27, $0xE;
	v15 =	vld [tilespmem:s29+$0xFFFFFFF0];
	v16 =	vmul.f32 $1.442695020e+00, v16;
	v22 =	vpop (erf)  }
0x72: {  	v23 =	vmul.f32 $1.442695020e+00, v7;
	[tilespmem:v8+s19+$0x0] =	vst.idx.add.f32.msk $0xffff, v22;
	(erf) = vpow2.f32 v17;
	v17 =	vpop (erf)  }
0x73: {  	v27 =	vld [tilespmem:s29+$0x20];
	(erf) = vpow2.f32 v16  }
0x74: {  	v16 =	vand.u32 $0x3FFF, v25;
	v20 =	vmul.f32 v17, v20;
	v29 =	vld.idx.msk [tilespmem:v14+s2+$0x0], $0xffff  }
0x75: {  	v7 =	vshrl.u32 v25, $0xE;
	v21 =	vmul.f32 v22, v21;
	[tilespmem:v3+s19+$0x0] =	vst.idx.add.f32.msk $0xffff, v17;
	(erf) = vpow2.f32 v19  }
0x76: {  	[tilespmem:v3+s20+$0x0] =	vst.idx.add.f32.msk $0xffff, v20;
	(erf) = vpow2.f32 v23;
	v3 =	vmov v18  }
0x77: {  	v17 =	vshrl.u32 v24, $0xE;
	v20 =	vand.u32 $0x3FFF, v24;
	[tilespmem:v8+s20+$0x0] =	vst.idx.add.f32.msk $0xffff, v21  }
0x78: {  	v21 =	vand.u32 $0x3FFF, v15;
	v31 =	vand.u32 $0x3FFF, v27;
	v19 =	vld.idx.msk [tilespmem:v9+s15+$0x0], $0xffff  }
0x79: {  	v22 =	vshrl.u32 v28, $0xE;
	v15 =	vshrl.u32 v15, $0xE;
	v23 =	vld.idx.msk [tilespmem:v16+s15+$0x0], $0xffff;
	v24 =	vpop (erf)  }
0x7a: {  	v25 =	vshrl.u32 v30, $0xE;
	v9 =	vand.u32 $0x3FFF, v30;
	v30 =	vld.idx.msk [tilespmem:v18+s14+$0x0], $0xffff  }
0x7b: {  	v8 =	vshrl.u32 v27, $0xE;
	v16 =	vld.idx.msk [tilespmem:v16+s2+$0x0], $0xffff;
	v18 =	vpop (erf)  }
0x7c: {  	[tilespmem:v2+s19+$0x0] =	vst.idx.add.f32.msk $0xffff, v18;
	v12 =	vmul.f32 v18, v12;
	v18 =	vpop (erf)  }
0x7d: {  	[tilespmem:v6+s19+$0x0] =	vst.idx.add.f32.msk $0xffff, v18;
	v13 =	vmul.f32 v18, v13  }
0x7e: {  	v18 =	vld.idx.msk [tilespmem:v7+s14+$0x0], $0xffff;
	v27 =	vpop (erf)  }
0x7f: {  	[tilespmem:v5+s19+$0x0] =	vst.idx.add.f32.msk $0xffff, v27;
	v10 =	vmul.f32 v27, v10;
	v27 =	vpop (erf)  }
0x80: {  	[tilespmem:v4+s19+$0x0] =	vst.idx.add.f32.msk $0xffff, v27  }
0x81: {  	v32 =	vand.u32 $0x3FFF, v26;
	[tilespmem:v2+s20+$0x0] =	vst.idx.add.f32.msk $0xffff, v12;
	v2 =	vmov v17  }
0x82: {  	v11 =	vmul.f32 v24, v11;
	v12 =	vmul.f32 v27, v19;
	[tilespmem:v6+s20+$0x0] =	vst.idx.add.f32.msk $0xffff, v13;
	v6 =	vshrl.u32 v26, $0xE  }
0x83: {  	[tilespmem:v1+s19+$0x0] =	vst.idx.add.f32.msk $0xffff, v24  }
0x84: {  	v13 =	vadd.f32 v18, v16;
	[tilespmem:v1+s20+$0x0] =	vst.idx.add.f32.msk $0xffff, v11;
	v1 =	vmov v15  }
0x85: {  	[tilespmem:v4+s20+$0x0] =	vst.idx.add.f32.msk $0xffff, v12;
	v4 =	vmov v25  }
0x86: {  	v11 =	vmul.f32 $2.000000030e-01, v13;
	[tilespmem:v5+s20+$0x0] =	vst.idx.add.f32.msk $0xffff, v10;
	v5 =	vmov v22  }
0x87: {  	vm0 =	vgt.f32 v13, $0.0e+00;
	v10 =	vld.idx.msk [tilespmem:v21+s2+$0x0], $0xffff  }
0x88: {  	v11 =	vsel vm0, v13, v11;
	v13 =	vld.idx.msk [tilespmem:v8+s14+$0x0], $0xffff  }
0x89: {  	v11 =	vsub.f32 v11, v18;
	v12 =	vld.idx.msk [tilespmem:v31+s2+$0x0], $0xffff  }
0x8a: {  	v17 =	vld.idx.msk [tilespmem:v17+s14+$0x0], $0xffff  }
0x8b: {  	v11 =	vmul.f32 $1.442695020e+00, v11;
	v22 =	vld.idx.msk [tilespmem:v20+s2+$0x0], $0xffff  }
0x8c: {  	v24 =	vand.u32 $0x3FFF, v28;
	v18 =	vld.idx.msk [tilespmem:v15+s14+$0x0], $0xffff  }
0x8d: {  	v25 =	vld.idx.msk [tilespmem:v32+s2+$0x0], $0xffff;
	(erf) = vpow2.f32 v11  }
0x8e: {  	v16 =	vld.idx.msk [tilespmem:v6+s14+$0x0], $0xffff  }
0x8f: {  	v11 =	vadd.f32 v13, v12;
	v15 =	vld.idx.msk [tilespmem:v4+s14+$0x0], $0xffff  }
0x90: {  	v26 =	vadd.f32 v30, v29;
	v19 =	vld.idx.msk [tilespmem:v5+s14+$0x0], $0xffff  }
0x91: {  	v28 =	vadd.f32 v17, v22;
	vm0 =	vgt.f32 v11, $0.0e+00;
	v22 =	vmul.f32 $2.000000030e-01, v11;
	v27 =	vld.idx.msk [tilespmem:v24+s2+$0x0], $0xffff  }
0x92: {  	v34 =	vmul.f32 $2.000000030e-01, v26;
	v33 =	vadd.f32 v18, v10;
	v29 =	vld.idx.msk [tilespmem:v9+s2+$0x0], $0xffff  }
0x93: {  	vm1 =	vgt.f32 v28, $0.0e+00;
	v11 =	vsel vm0, v11, v22;
	vm0 =	vgt.f32 v26, $0.0e+00;
	v12 =	vld.idx.msk [tilespmem:v20+s15+$0x0], $0xffff  }
0x94: {  	v35 =	vmul.f32 $2.000000030e-01, v33;
	v13 =	vsub.f32 v11, v13;
	v20 =	vsel vm0, v26, v34;
	v10 =	vld.idx.msk [tilespmem:v24+s15+$0x0], $0xffff  }
.Ltmp1:
0x95: {  	v22 =	vadd.f32 v16, v25;
	v11 =	vld.idx.msk [tilespmem:v21+s15+$0x0], $0xffff;
	v21 =	vsub.f32 v20, v30;
	(pc) =	sbr.rel @p0 .LBB2_4-.Ltmp1, $4  }
0x96: {  	v26 =	vmul.f32 $2.000000030e-01, v28;
	v30 =	vmul.f32 $1.442695020e+00, v13;
	v20 =	vld.idx.msk [tilespmem:v14+s15+$0x0], $0xffff;
	v34 =	vpop (erf)  }
0x97: {  	vm0 =	vgt.f32 v33, $0.0e+00;
	v24 =	vadd.f32 v19, v27;
	[tilespmem:v7+s19+$0x0] =	vst.idx.add.f32.msk $0xffff, v34;
	v27 =	vmul.f32 $1.442695020e+00, v21  }
0x98: {  	v25 =	vsel vm0, v33, v35;
	v14 =	vadd.f32 v15, v29;
	v13 =	vld.idx.msk [tilespmem:v32+s15+$0x0], $0xffff;
	(erf) = vpow2.f32 v30  }
0x99: {  	s29 =	sadd.s32 $0x80, s29;
	v26 =	vsel vm1, v28, v26;
	v23 =	vmul.f32 v34, v23;
	v21 =	vld.idx.msk [tilespmem:v31+s15+$0x0], $0xffff;
	(erf) = vpow2.f32 v27  }
0x9a: {  	vm0 =	vgt.f32 v24, $0.0e+00;
	v54 =	vmul.f32 $2.000000030e-01, v22  }
0x9b: {  	v17 =	vsub.f32 v26, v17;
	v18 =	vsub.f32 v25, v18;
	vm1 =	vgt.f32 v22, $0.0e+00  }
0x9c: {  	v27 =	vmul.f32 $2.000000030e-01, v24;
	v55 =	vmul.f32 $2.000000030e-01, v14;
	v22 =	vsel vm1, v22, v54  }
0x9d: {  	vm14 =	vgt.f32 v14, $0.0e+00;
	v18 =	vmul.f32 $1.442695020e+00, v18;
	v16 =	vsub.f32 v22, v16  }
0x9e: {  	v24 =	vsel vm0, v24, v27;
	v14 =	vsel vm14, v14, v55;
	v17 =	vmul.f32 $1.442695020e+00, v17  }
0x9f: {  	v19 =	vsub.f32 v24, v19;
	(erf) = vpow2.f32 v18;
	v56 =	vmul.f32 $1.442695020e+00, v16  }
0xa0: {  	v14 =	vsub.f32 v14, v15;
	(erf) = vpow2.f32 v17  }
0xa1: {  	v57 =	vmul.f32 $1.442695020e+00, v19;
	(erf) = vpow2.f32 v56  }
0xa2: {  	v14 =	vmul.f32 $1.442695020e+00, v14  }
0xa3: {  	[tilespmem:v7+s20+$0x0] =	vst.idx.add.f32.msk $0xffff, v23;
	v58 =	vpop (erf);
	(erf) = vpow2.f32 v57  }
0xa4: {  	v59 =	vpop (erf);
	[tilespmem:v8+s19+$0x0] =	vst.idx.add.f32.msk $0xffff, v58;
	v15 =	vmul.f32 v58, v21;
	(erf) = vpow2.f32 v14  }
0xa5: {  	v7 =	vmul.f32 v59, v20;
	[tilespmem:v3+s19+$0x0] =	vst.idx.add.f32.msk $0xffff, v59  }
0xa6: {  	[tilespmem:v8+s20+$0x0] =	vst.idx.add.f32.msk $0xffff, v15  }
0xa7: {  	[tilespmem:v3+s20+$0x0] =	vst.idx.add.f32.msk $0xffff, v7  }
0xa8: {  	v7 =	vld.idx.msk [tilespmem:v9+s15+$0x0], $0xffff;
	v3 =	vpop (erf)  }
0xa9: {  	v8 =	vpop (erf);
	[tilespmem:v1+s19+$0x0] =	vst.idx.add.f32.msk $0xffff, v3  }
0xaa: {  	[tilespmem:v2+s19+$0x0] =	vst.idx.add.f32.msk $0xffff, v8;
	v8 =	vmul.f32 v8, v12;
	v60 =	vpop (erf)  }
0xab: {  	[tilespmem:v6+s19+$0x0] =	vst.idx.add.f32.msk $0xffff, v60  }
0xac: {  	v61 =	vpop (erf);
	[tilespmem:v2+s20+$0x0] =	vst.idx.add.f32.msk $0xffff, v8  }
0xad: {  	v9 =	vmul.f32 v60, v13;
	[tilespmem:v5+s19+$0x0] =	vst.idx.add.f32.msk $0xffff, v61;
	v62 =	vpop (erf)  }
0xae: {  	v2 =	vmul.f32 v3, v11;
	[tilespmem:v4+s19+$0x0] =	vst.idx.add.f32.msk $0xffff, v62  }
0xaf: {  	v3 =	vmul.f32 v61, v10;
	[tilespmem:v6+s20+$0x0] =	vst.idx.add.f32.msk $0xffff, v9  }
0xb0: {  	v6 =	vmul.f32 v62, v7;
	[tilespmem:v1+s20+$0x0] =	vst.idx.add.f32.msk $0xffff, v2  }
0xb1: {  	[tilespmem:v5+s20+$0x0] =	vst.idx.add.f32.msk $0xffff, v3  }
0xb2: {  	[tilespmem:v4+s20+$0x0] =	vst.idx.add.f32.msk $0xffff, v6  }
0xb3: {  	v1 =	vld [tilespmem:$0x11700];
	_ =	sdelay $0x4  }
0xb4: {  	v2 =	vand.u32 $0x3FFF, v1  }
0xb5: {  	v1 =	vshrl.u32 v1, $0xE;
	_ =	sdelay $0x3  }
0xb6: {  	v3 =	vld.idx.msk [tilespmem:v2+s2+$0x0], $0xffff  }
0xb7: {  	v4 =	vld.idx.msk [tilespmem:v1+s14+$0x0], $0xffff;
	_ =	sdelay $0x4  }
0xb8: {  	v3 =	vadd.f32 v4, v3;
	_ =	sdelay $0x1  }
0xb9: {  	v5 =	vmul.f32 $2.000000030e-01, v3  }
0xba: {  	vm15 =	vgt.f32 v3, $0.0e+00  }
0xbb: {  	v3 =	vsel vm15, v3, v5  }
0xbc: {  	v3 =	vsub.f32 v3, v4;
	_ =	sdelay $0x1  }
0xbd: {  	v3 =	vmul.f32 $1.442695020e+00, v3;
	_ =	sdelay $0x1  }
0xbe: {  	(erf) = vpow2.f32 v3;
	_ =	sdelay $0x4  }
0xbf: {  	v2 =	vld.idx.msk [tilespmem:v2+s15+$0x0], $0xffff;
	_ =	sdelay $0x3  }
0xc0: {  	v3 =	vpop (erf)  }
0xc1: {  	v2 =	vmul.f32 v3, v2  }
0xc2: {  	[tilespmem:v1+s19+$0x0] =	vst.idx.add.f32.msk $0xffff, v3  }
0xc3: {  	[tilespmem:v1+s20+$0x0] =	vst.idx.add.f32.msk $0xffff, v2  }
0xc4: {  	_ =	swait.ge [sflag:s21], $0x2800  }
0xc5: {  	[sflag:s21] =	ssyncset.done $0x0  }
0xc6: {  	[sflag:s21] =	ssyncadd.s32 $0xFFFFD800  }
0xc7: {  	_ =	swait.ge [sflag:s21], $0x140  }
0xc8: {  	[sflag:s21] =	ssyncset.done $0x0  }
0xc9: {  	s28 =	simm.s32 $0x117A0;
	[sflag:s21] =	ssyncadd.s32 $0xFFFFFEC0  }
0xca: {  	v1 =	vld [tilespmem:s28+$0x10];
	_ =	sdelay $0x1  }
0xcb: {  	v3 =	vld [tilespmem:s28+$0xFFFFFFE0]  }
0xcc: {  	v4 =	vld [tilespmem:s28+$0xFFFFFFF0]  }
0xcd: {  	v5 =	vld [tilespmem:s28+$0x0];
	s28 =	simm.s32 $0x117E0  }
0xce: {  	v8 =	vld [tilespmem:s28+$0x10]  }
0xcf: {  	v2 =	vld [tilespmem:s28+$0xFFFFFFF0]  }
0xd0: {  	v7 =	vld [tilespmem:s28+$0xFFFFFFE0]  }
0xd1: {  	v63 =	vld.idx.msk [tilespmem:v1+s16+$0x0], $0xffff  }
0xd2: {  	v1 =	vld [tilespmem:s28+$0x0]  }
0xd3: {  	v6 =	vld.idx.msk [tilespmem:v3+s16+$0x0], $0xffff  }
0xd4: {  	v3 =	vld.idx.msk [tilespmem:v4+s16+$0x0], $0xffff  }
0xd5: {  	s28 =	simm.s32 $0x11920;
	v4 =	vld.idx.msk [tilespmem:v5+s16+$0x0], $0xffff  }
0xd6: {  	s29 =	simm.s32 $0x4;
	s30 =	simm.s32 $0x11820;
	v5 =	vld.idx.msk [tilespmem:v8+s16+$0x0], $0xffff;
	[tilespmem:s28+$0x10] =	vst v63  }
.LBB2_6:
0xd7: {  	v8 =	vld [tilespmem:s30+$0x10];
	s29 =	sadd.s32 $0x4, s29  }
0xd8: {  	v9 =	vld [tilespmem:s30+$0xFFFFFFF0];
	p0 =	slt.u32 s29, $0x10;
	[tilespmem:s28+$0xFFFFFFE0] =	vst v6  }
0xd9: {  	v10 =	vld [tilespmem:s30+$0x0];
	[tilespmem:s28+$0xFFFFFFF0] =	vst v3  }
0xda: {  	v11 =	vld [tilespmem:s30+$0xFFFFFFE0];
	[tilespmem:s28+$0x0] =	vst v4  }
.Ltmp2:
0xdb: {  	s28 =	sadd.s32 $0x40, s28;
	v6 =	vld.idx.msk [tilespmem:v7+s16+$0x0], $0xffff;
	(pc) =	sbr.rel @p0 .LBB2_6-.Ltmp2, $4  }
0xdc: {  	v3 =	vld.idx.msk [tilespmem:v2+s16+$0x0], $0xffff;
	[tilespmem:s28+$0x10] =	vst v5  }
0xdd: {  	v4 =	vld.idx.msk [tilespmem:v1+s16+$0x0], $0xffff;
	v2 =	vmov v9  }
0xde: {  	v1 =	vmov v10  }
0xdf: {  	s30 =	sadd.s32 $0x40, s30;
	v5 =	vld.idx.msk [tilespmem:v8+s16+$0x0], $0xffff;
	v7 =	vmov v11  }
0xe0: {  	_ =	sdelay $0x3  }
0xe1: {  	v7 =	vld.idx.msk [tilespmem:v7+s16+$0x0], $0xffff  }
0xe2: {  	[tilespmem:s28+$0xFFFFFFE0] =	vst v6;
	v2 =	vld.idx.msk [tilespmem:v2+s16+$0x0], $0xffff  }
0xe3: {  	v1 =	vld.idx.msk [tilespmem:v1+s16+$0x0], $0xffff;
	[tilespmem:s28+$0xFFFFFFF0] =	vst v3  }
0xe4: {  	s31 =	sadd.s32 $0x40, s28;
	[tilespmem:s28+$0x0] =	vst v4  }
0xe5: {  	[tilespmem:s31+$0x10] =	vst v5  }
0xe6: {  	[tilespmem:s31+$0xFFFFFFE0] =	vst v7  }
0xe7: {  	[tilespmem:s31+$0xFFFFFFF0] =	vst v2  }
0xe8: {  	[tilespmem:s31+$0x0] =	vst v1  }
0xe9: {  	[hbm4b:s9+s22] =	stream.strided.scatter [tilespmem:s19], [sflag:$0x3], $0x2800, s23, s22, $0x38;
	[tilespmem:$0x11A80] =	vst v63  }
0xea: {  	_ =	swait.ge [sflag:s24], $0x2800  }
0xeb: {  	[sflag:s24] =	ssyncset.done $0x0  }
0xec: {  	[sflag:s24] =	ssyncadd.s32 $0xFFFFD800  }
0xed: {  	[hbm4b:s10+s22] =	stream.strided.scatter [tilespmem:s20], [sflag:$0x3], $0x2800, s23, s22, $0x38;
	[tilespmem:$0x11A80] =	vst v63  }
0xee: {  	s26 =	sadd.s32 $0x1, s26;
	_ =	swait.ge [sflag:s24], $0x2800  }
0xef: {  	p0 =	sne.s32 s26, s12;
	[sflag:s24] =	ssyncset.done $0x0  }
.Ltmp3:
0xf0: {  	[sflag:s24] =	ssyncadd.s32 $0xFFFFD800;
	(pc) =	sbr.rel @p0 .LBB2_1-.Ltmp3, $4  }
0xf1: {  	[hbm4b:s11+s2] =	stream.linear.scatter [tilespmem:s25], [sflag:$0x3], $0x140, $0x38;
	[tilespmem:$0x11A80] =	vst v63  }
0xf2: {  	_ =	swait.ge [sflag:s24], $0x140  }
0xf3: {  	[sflag:s24] =	ssyncset.done $0x0  }
0xf4: {  	[sflag:s24] =	ssyncadd.s32 $0xFFFFFEC0  }
0xf5: {  	_ =	sfence.sel $0x180000  }
0xf6: {  	[bflag:$0x0] =	sbarrier.arrive $0xFFFF  }
0xf7: {  	p0 =	sne.s32 s1, $0x0;
	_ =	strace $0x90000047  }
0xf8: {  	s0 =	sadd.s32 @!p0 $0x100000, s0;
	[bflag:$0x2] =	sbarrier.arrive $0xFFFF  }
0xf9: {  	[sflag:s0] =	ssyncadd.tile.s32 @!p0 $0x1;
	_ =	shalt  }
.Lfunc_end2:
_tile_overlayer_lowered:
.L_overlay_start_2:
0xfa: {  	(tag) =	ssettag $0x2  }
0xfb: {  	s0 =	rddreg [dreg:$0x0];
	s2 =	stileid.u32  }
0xfc: {  	s1 =	rddreg [dreg:$0x1];
	p0 =	sne.s32 s2, $0x0  }
0xfd: {  	s3 =	rddreg [dreg:$0x2];
	[bflag:$0x3] =	sbarrier.arrive $0xFFFF;
	s2 =	simm.s32 @!p0 $0x1C03  }
0xfe: {  	[timem:s3], [sflag:s2] =	dma.local @!p0 [hbm:s0], s1  }
0xff: {  	s0 =	simm.s32 @!p0 $0x3  }
0x100: {  	_ =	swait.ge @!p0 [sflag:s0], s1  }
0x101: {  	s1 =	ssub.s32 @!p0 $0x0, s1;
	[sflag:s0] =	ssyncset.done @!p0 $0x0  }
0x102: {  	[sflag:s0] =	ssyncadd.s32 @!p0 s1  }
0x103: {  	[bflag:$0x3] =	sbarrier.arrive $0xFFFF  }
0x104: {  	_ =	shalt  }

</sc_bundles>
